<compile_context>
chip_gen: v7x
topology: tpu7x:2x2x1
jax: 0.10.2.dev20260603
libtpu: 0.0.44.dev20260713+nightly
codegen_flags: <defaults>
</compile_context>

<pallas_src>
import functools
import math

import jax
import jax.numpy as jnp
from jax import lax
from jax.experimental import pallas as pl
from jax.experimental.pallas import tpu as pltpu
from jax.experimental.pallas import tpu_sc as plsc

EMBED_W = 64
SCALE = math.sqrt(64.0)
LANES = 128
NBUF = 4


def _make_lookup(n_seq: int, n_batch: int, n_vocab: int):
    info = plsc.get_sparse_core_info()
    nc, ns = info.num_cores, info.num_subcores
    nw = nc * ns
    assert n_batch == nw * LANES
    n_outer = n_seq // NBUF
    assert n_outer * NBUF == n_seq

    mesh = plsc.VectorSubcoreMesh(core_axis_name="c", subcore_axis_name="s")

    @functools.partial(
        pl.kernel,
        mesh=mesh,
        out_type=jax.ShapeDtypeStruct((n_batch, n_seq, 2 * EMBED_W), jnp.float32),
        scratch_types=[
            pltpu.VMEM((n_seq, LANES), jnp.int32),
            pltpu.VMEM((NBUF, LANES, 2 * EMBED_W), jnp.float32),
            pltpu.SemaphoreType.DMA,
            pltpu.SemaphoreType.DMA,
            pltpu.SemaphoreType.DMA,
            pltpu.SemaphoreType.DMA,
            pltpu.SemaphoreType.DMA,
            pltpu.SemaphoreType.DMA,
            pltpu.SemaphoreType.DMA,
            pltpu.SemaphoreType.DMA,
        ],
        compiler_params=pltpu.CompilerParams(
            use_tc_tiling_on_sc=False, needs_layout_passes=False
        ),
    )
    def lookup(lutp_hbm, xt_hbm, out_hbm, idx_v, rows_v,
               g0, g1, g2, g3, w0, w1, w2, w3):
        wid = lax.axis_index("s") * nc + lax.axis_index("c")
        g_sems = [g0, g1, g2, g3]
        w_sems = [w0, w1, w2, w3]
        b0 = wid * LANES

        pltpu.sync_copy(xt_hbm.at[:, pl.ds(b0, LANES)], idx_v)

        for s in range(2):
            pltpu.async_copy(
                lutp_hbm.at[idx_v.at[s]], rows_v.at[s % NBUF], g_sems[s % NBUF]
            )

        def outer(t, carry):
            for b in range(NBUF):
                s = t * NBUF + b
                pltpu.make_async_copy(
                    lutp_hbm.at[pl.ds(0, LANES)], rows_v.at[b], g_sems[b]
                ).wait()

                pltpu.async_copy(
                    rows_v.at[b, :, pl.ds(0, EMBED_W)],
                    out_hbm.at[pl.ds(b0, LANES), s, pl.ds(0, EMBED_W)],
                    w_sems[b],
                )

                bn = (b + 2) % NBUF

                def _refill(b=b, s=s, bn=bn):
                    @pl.when(s >= 2)
                    def _drain():
                        pltpu.make_async_copy(
                            rows_v.at[bn, :, pl.ds(0, EMBED_W)],
                            out_hbm.at[pl.ds(0, LANES), 0, pl.ds(0, EMBED_W)],
                            w_sems[bn],
                        ).wait()

                    pltpu.async_copy(
                        lutp_hbm.at[idx_v.at[s + 2]], rows_v.at[bn],
                        g_sems[bn],
                    )

                if b >= 2:
                    pl.when(t < n_outer - 1)(_refill)
                else:
                    _refill()
            return carry

        lax.fori_loop(0, n_outer, outer, 0)

        for b in range(NBUF):
            pltpu.make_async_copy(
                rows_v.at[b, :, pl.ds(0, EMBED_W)],
                out_hbm.at[pl.ds(0, LANES), 0, pl.ds(0, EMBED_W)],
                w_sems[b],
            ).wait()

    return lookup


def kernel(x, lut):
    n_batch, n_seq = x.shape
    n_vocab, embed = lut.shape
    xt = x.T.astype(jnp.int32)
    lutp = jnp.pad(lut, ((0, 0), (0, embed))) * jnp.float32(SCALE)
    outp = _make_lookup(n_seq, n_batch, n_vocab)(lutp, xt)
    return outp[:, :, :embed]

# --- scband reference (transcript-rebuilt; emitter-appended) ---
"""Pipeline reference for scband-embedding-21406117003987 (READ-ONLY COPY).

The authoritative reference and input builder live on the scoring server;
editing this copy changes nothing except your own understanding.
"""

import jax, jax.numpy as jnp
import numpy as np
import math

VOCAB = 1000000
EMBED = 64
BATCH = 4096
SEQ = 200

def setup_inputs(seed: int = 0) -> dict:
    key = jax.random.key(seed)
    k1, k2 = jax.random.split(key)
    x = jax.random.randint(k1, (BATCH, SEQ), 0, VOCAB, dtype=jnp.int64 if jax.config.jax_enable_x64 else jnp.int32)
    lut = jax.random.normal(k2, (VOCAB, EMBED), dtype=jnp.float32)
    return {"x": x, "lut": lut}

def reference(x, lut):
    # Embedding lookup then scale by sqrt(embed_vec_len), matching torch module
    emb = jnp.take(lut, x, axis=0)  # (B, S, E)
    return emb * math.sqrt(EMBED)

if __name__ == "__main__":
    import jax
    _d = setup_inputs()
    print(jax.jit(kernel)(*tuple(_d.values())))

</pallas_src>

<mosaic_0001>
#map = affine_map<(d0, d1) -> (0, 0)>
#map1 = affine_map<(d0, d1) -> (0, 0, 0)>
module attributes {stable_mosaic.version = 14 : i64} {
  func.func @lookup(%arg0: i32, %arg1: i32, %arg2: memref<1000000x128xf32, #tpu.memory_space<hbm>>, %arg3: memref<200x4096xi32, #tpu.memory_space<hbm>>, %arg4: memref<4096x200x128xf32, #tpu.memory_space<hbm>>, %arg5: memref<200x128xi32, #tpu.memory_space<vmem>>, %arg6: memref<4x128x128xf32, #tpu.memory_space<vmem>>, %arg7: memref<!tpu.dma_semaphore, #tpu.memory_space<semaphore_mem>>, %arg8: memref<!tpu.dma_semaphore, #tpu.memory_space<semaphore_mem>>, %arg9: memref<!tpu.dma_semaphore, #tpu.memory_space<semaphore_mem>>, %arg10: memref<!tpu.dma_semaphore, #tpu.memory_space<semaphore_mem>>, %arg11: memref<!tpu.dma_semaphore, #tpu.memory_space<semaphore_mem>>, %arg12: memref<!tpu.dma_semaphore, #tpu.memory_space<semaphore_mem>>, %arg13: memref<!tpu.dma_semaphore, #tpu.memory_space<semaphore_mem>>, %arg14: memref<!tpu.dma_semaphore, #tpu.memory_space<semaphore_mem>>) attributes {dimension_semantics = [#tpu.dimension_semantics<core_parallel>, #tpu.dimension_semantics<subcore_parallel>], iteration_bounds = array<i64: 2, 16>, scalar_prefetch = 0 : i64, scratch_operands = 10 : i64, tpu.core_type = #tpu.core_type<sc_vector_subcore>, window_params = [{transform_indices = #map}, {transform_indices = #map}, {transform_indices = #map1}]} {
    %mul3A = arith.constant 2 : i32
    %mul3A_0 = arith.muli %arg1, %mul3A : i32
    %add3A = arith.addi %mul3A_0, %arg0 : i32
    %mul3A_1 = arith.constant 128 : i32
    %mul3A_2 = arith.muli %add3A, %mul3A_1 : i32
    "tpu.region"() ({
      %run_scoped3A = tpu.sem_alloc : memref<!tpu.dma_semaphore, #tpu.memory_space<semaphore_mem>>
      %dma_start3A_102 = arith.constant 0 : i32
      %dma_start3A_103 = tpu.memref_slice %arg3[%dma_start3A_102, %mul3A_2] : memref<200x4096xi32, #tpu.memory_space<hbm>> -> memref<200x128xi32, #tpu.memory_space<hbm>>
      %dma_start3A_104 = arith.constant 0 : i32
      %dma_start3A_105 = tpu.memref_slice %arg3[%dma_start3A_104, %mul3A_2] : memref<200x4096xi32, #tpu.memory_space<hbm>> -> memref<200x128xi32, #tpu.memory_space<hbm>>
      tpu.enqueue_dma source(%dma_start3A_105 : memref<200x128xi32, #tpu.memory_space<hbm>>) target(%arg5 : memref<200x128xi32, #tpu.memory_space<vmem>>) target_semaphore(%run_scoped3A : memref<!tpu.dma_semaphore, #tpu.memory_space<semaphore_mem>>)
      %dma_wait3A_106 = arith.constant 0 : i32
      %dma_wait3A_107 = tpu.memref_slice %arg3[%dma_wait3A_106, %mul3A_2] : memref<200x4096xi32, #tpu.memory_space<hbm>> -> memref<200x128xi32, #tpu.memory_space<hbm>>
      %dma_wait3A_108 = arith.constant 0 : i32
      %dma_wait3A_109 = tpu.memref_slice %arg3[%dma_wait3A_108, %mul3A_2] : memref<200x4096xi32, #tpu.memory_space<hbm>> -> memref<200x128xi32, #tpu.memory_space<hbm>>
      tpu.wait_dma2 semaphore(%run_scoped3A : memref<!tpu.dma_semaphore, #tpu.memory_space<semaphore_mem>>) src(%dma_wait3A_109 : memref<200x128xi32, #tpu.memory_space<hbm>>) dst(%arg5 : memref<200x128xi32, #tpu.memory_space<vmem>>)
      tpu.yield
    }) : () -> ()
    %dma_start3A = arith.constant 0 : i32
    %dma_start3A_3 = arith.constant 0 : i32
    %dma_start3A_4 = arith.constant 0 : i32
    %dma_start3A_5 = arith.constant 0 : i32
    %dma_start3A_6 = tpu.memref_slice %arg6[%dma_start3A_3, %dma_start3A_4, %dma_start3A_5] : memref<4x128x128xf32, #tpu.memory_space<vmem>> -> memref<1x128x128xf32, #tpu.memory_space<vmem>>
    %dma_start3A_7 = tpu.memref_squeeze %dma_start3A_6 : memref<1x128x128xf32, #tpu.memory_space<vmem>> -> memref<128x128xf32, #tpu.memory_space<vmem>>
    %dma_start3A_8 = arith.constant 0 : i32
    %dma_start3A_9 = tpu.memref_slice %arg5[%dma_start3A, %dma_start3A_8] : memref<200x128xi32, #tpu.memory_space<vmem>> -> memref<1x128xi32, #tpu.memory_space<vmem>>
    %dma_start3A_10 = tpu.memref_squeeze %dma_start3A_9 : memref<1x128xi32, #tpu.memory_space<vmem>> -> memref<128xi32, #tpu.memory_space<vmem>>
    %dma_start3A_11 = arith.constant 0 : i32
    %dma_start3A_12 = arith.constant 0 : i32
    %dma_start3A_13 = tpu.memref_slice %arg2[%dma_start3A_11, %dma_start3A_12] : memref<1000000x128xf32, #tpu.memory_space<hbm>> -> memref<1000000x128xf32, #tpu.memory_space<hbm>>
    tpu.enqueue_indirect_dma source(%dma_start3A_13 : memref<1000000x128xf32, #tpu.memory_space<hbm>>) target(%dma_start3A_7 : memref<128x128xf32, #tpu.memory_space<vmem>>) offsets(%dma_start3A_10 : memref<128xi32, #tpu.memory_space<vmem>>) semaphore(%arg7 : memref<!tpu.dma_semaphore, #tpu.memory_space<semaphore_mem>>)
    %dma_start3A_14 = arith.constant 1 : i32
    %dma_start3A_15 = arith.constant 1 : i32
    %dma_start3A_16 = arith.constant 0 : i32
    %dma_start3A_17 = arith.constant 0 : i32
    %dma_start3A_18 = tpu.memref_slice %arg6[%dma_start3A_15, %dma_start3A_16, %dma_start3A_17] : memref<4x128x128xf32, #tpu.memory_space<vmem>> -> memref<1x128x128xf32, #tpu.memory_space<vmem>>
    %dma_start3A_19 = tpu.memref_squeeze %dma_start3A_18 : memref<1x128x128xf32, #tpu.memory_space<vmem>> -> memref<128x128xf32, #tpu.memory_space<vmem>>
    %dma_start3A_20 = arith.constant 0 : i32
    %dma_start3A_21 = tpu.memref_slice %arg5[%dma_start3A_14, %dma_start3A_20] : memref<200x128xi32, #tpu.memory_space<vmem>> -> memref<1x128xi32, #tpu.memory_space<vmem>>
    %dma_start3A_22 = tpu.memref_squeeze %dma_start3A_21 : memref<1x128xi32, #tpu.memory_space<vmem>> -> memref<128xi32, #tpu.memory_space<vmem>>
    %dma_start3A_23 = arith.constant 0 : i32
    %dma_start3A_24 = arith.constant 0 : i32
    %dma_start3A_25 = tpu.memref_slice %arg2[%dma_start3A_23, %dma_start3A_24] : memref<1000000x128xf32, #tpu.memory_space<hbm>> -> memref<1000000x128xf32, #tpu.memory_space<hbm>>
    tpu.enqueue_indirect_dma source(%dma_start3A_25 : memref<1000000x128xf32, #tpu.memory_space<hbm>>) target(%dma_start3A_19 : memref<128x128xf32, #tpu.memory_space<vmem>>) offsets(%dma_start3A_22 : memref<128xi32, #tpu.memory_space<vmem>>) semaphore(%arg8 : memref<!tpu.dma_semaphore, #tpu.memory_space<semaphore_mem>>)
    %scan3A = arith.constant 0 : i32
    %scan3A_26 = arith.constant 0 : i32
    %scan3A_27 = arith.constant 50 : i32
    %scan3A_28 = arith.addi %scan3A_26, %scan3A_27 : i32
    %scan3A_29 = arith.constant 1 : i32
    scf.for %scan3A_102 = %scan3A_26 to %scan3A_28 step %scan3A_29  : i32 {
      %mul3A_103 = arith.constant 4 : i32
      %mul3A_104 = arith.muli %scan3A_102, %mul3A_103 : i32
      %add3A_105 = arith.constant 0 : i32
      %add3A_106 = arith.addi %mul3A_104, %add3A_105 : i32
      %dma_wait3A_107 = arith.constant 0 : i32
      %dma_wait3A_108 = arith.constant 0 : i32
      %dma_wait3A_109 = arith.constant 0 : i32
      %dma_wait3A_110 = tpu.memref_slice %arg6[%dma_wait3A_107, %dma_wait3A_108, %dma_wait3A_109] : memref<4x128x128xf32, #tpu.memory_space<vmem>> -> memref<1x128x128xf32, #tpu.memory_space<vmem>>
      %dma_wait3A_111 = tpu.memref_squeeze %dma_wait3A_110 : memref<1x128x128xf32, #tpu.memory_space<vmem>> -> memref<128x128xf32, #tpu.memory_space<vmem>>
      %dma_wait3A_112 = arith.constant 0 : i32
      %dma_wait3A_113 = arith.constant 0 : i32
      %dma_wait3A_114 = tpu.memref_slice %arg2[%dma_wait3A_112, %dma_wait3A_113] : memref<1000000x128xf32, #tpu.memory_space<hbm>> -> memref<128x128xf32, #tpu.memory_space<hbm>>
      %dma_wait3A_115 = arith.constant 0 : i32
      %dma_wait3A_116 = arith.constant 0 : i32
      %dma_wait3A_117 = tpu.memref_slice %arg6[%dma_wait3A_107, %dma_wait3A_115, %dma_wait3A_116] : memref<4x128x128xf32, #tpu.memory_space<vmem>> -> memref<1x128x128xf32, #tpu.memory_space<vmem>>
      %dma_wait3A_118 = tpu.memref_squeeze %dma_wait3A_117 : memref<1x128x128xf32, #tpu.memory_space<vmem>> -> memref<128x128xf32, #tpu.memory_space<vmem>>
      %dma_wait3A_119 = arith.constant 0 : i32
      %dma_wait3A_120 = arith.constant 0 : i32
      %dma_wait3A_121 = tpu.memref_slice %arg2[%dma_wait3A_119, %dma_wait3A_120] : memref<1000000x128xf32, #tpu.memory_space<hbm>> -> memref<128x128xf32, #tpu.memory_space<hbm>>
      tpu.wait_dma2 semaphore(%arg7 : memref<!tpu.dma_semaphore, #tpu.memory_space<semaphore_mem>>) src(%dma_wait3A_121 : memref<128x128xf32, #tpu.memory_space<hbm>>) dst(%dma_wait3A_118 : memref<128x128xf32, #tpu.memory_space<vmem>>)
      %dma_start3A_122 = arith.constant 0 : i32
      %dma_start3A_123 = arith.constant 0 : i32
      %dma_start3A_124 = arith.constant 0 : i32
      %dma_start3A_125 = tpu.memref_slice %arg6[%dma_start3A_122, %dma_start3A_123, %dma_start3A_124] : memref<4x128x128xf32, #tpu.memory_space<vmem>> -> memref<1x128x64xf32, #tpu.memory_space<vmem>>
      %dma_start3A_126 = tpu.memref_squeeze %dma_start3A_125 : memref<1x128x64xf32, #tpu.memory_space<vmem>> -> memref<128x64xf32, #tpu.memory_space<vmem>>
      %dma_start3A_127 = arith.constant 0 : i32
      %dma_start3A_128 = tpu.memref_slice %arg4[%mul3A_2, %add3A_106, %dma_start3A_127] : memref<4096x200x128xf32, #tpu.memory_space<hbm>> -> memref<128x1x64xf32, #tpu.memory_space<hbm>>
      %dma_start3A_129 = tpu.memref_squeeze %dma_start3A_128 : memref<128x1x64xf32, #tpu.memory_space<hbm>> -> memref<128x64xf32, #tpu.memory_space<hbm>>
      %dma_start3A_130 = arith.constant 0 : i32
      %dma_start3A_131 = tpu.memref_slice %arg4[%mul3A_2, %add3A_106, %dma_start3A_130] : memref<4096x200x128xf32, #tpu.memory_space<hbm>> -> memref<128x1x64xf32, #tpu.memory_space<hbm>>
      %dma_start3A_132 = tpu.memref_squeeze %dma_start3A_131 : memref<128x1x64xf32, #tpu.memory_space<hbm>> -> memref<128x64xf32, #tpu.memory_space<hbm>>
      %dma_start3A_133 = arith.constant 0 : i32
      %dma_start3A_134 = arith.constant 0 : i32
      %dma_start3A_135 = tpu.memref_slice %arg6[%dma_start3A_122, %dma_start3A_133, %dma_start3A_134] : memref<4x128x128xf32, #tpu.memory_space<vmem>> -> memref<1x128x64xf32, #tpu.memory_space<vmem>>
      %dma_start3A_136 = tpu.memref_squeeze %dma_start3A_135 : memref<1x128x64xf32, #tpu.memory_space<vmem>> -> memref<128x64xf32, #tpu.memory_space<vmem>>
      tpu.enqueue_dma source(%dma_start3A_136 : memref<128x64xf32, #tpu.memory_space<vmem>>) target(%dma_start3A_132 : memref<128x64xf32, #tpu.memory_space<hbm>>) target_semaphore(%arg11 : memref<!tpu.dma_semaphore, #tpu.memory_space<semaphore_mem>>)
      %ge3A = arith.constant 2 : i32
      %ge3A_137 = arith.cmpi sge, %add3A_106, %ge3A : i32
      %convert_element_type3A = arith.extui %ge3A_137 : i1 to i32
      %cond3A = arith.constant 0 : i32
      %cond3A_138 = arith.cmpi ne, %convert_element_type3A, %cond3A : i32
      scf.if %cond3A_138 {
        %dma_wait3A_281 = arith.constant 2 : i32
        %dma_wait3A_282 = arith.constant 0 : i32
        %dma_wait3A_283 = arith.constant 0 : i32
        %dma_wait3A_284 = arith.constant 0 : i32
        %dma_wait3A_285 = tpu.memref_slice %arg6[%dma_wait3A_281, %dma_wait3A_283, %dma_wait3A_284] : memref<4x128x128xf32, #tpu.memory_space<vmem>> -> memref<1x128x64xf32, #tpu.memory_space<vmem>>
        %dma_wait3A_286 = tpu.memref_squeeze %dma_wait3A_285 : memref<1x128x64xf32, #tpu.memory_space<vmem>> -> memref<128x64xf32, #tpu.memory_space<vmem>>
        %dma_wait3A_287 = arith.constant 0 : i32
        %dma_wait3A_288 = arith.constant 0 : i32
        %dma_wait3A_289 = tpu.memref_slice %arg4[%dma_wait3A_287, %dma_wait3A_282, %dma_wait3A_288] : memref<4096x200x128xf32, #tpu.memory_space<hbm>> -> memref<128x1x64xf32, #tpu.memory_space<hbm>>
        %dma_wait3A_290 = tpu.memref_squeeze %dma_wait3A_289 : memref<128x1x64xf32, #tpu.memory_space<hbm>> -> memref<128x64xf32, #tpu.memory_space<hbm>>
        %dma_wait3A_291 = arith.constant 0 : i32
        %dma_wait3A_292 = arith.constant 0 : i32
        %dma_wait3A_293 = tpu.memref_slice %arg4[%dma_wait3A_291, %dma_wait3A_282, %dma_wait3A_292] : memref<4096x200x128xf32, #tpu.memory_space<hbm>> -> memref<128x1x64xf32, #tpu.memory_space<hbm>>
        %dma_wait3A_294 = tpu.memref_squeeze %dma_wait3A_293 : memref<128x1x64xf32, #tpu.memory_space<hbm>> -> memref<128x64xf32, #tpu.memory_space<hbm>>
        %dma_wait3A_295 = arith.constant 0 : i32
        %dma_wait3A_296 = arith.constant 0 : i32
        %dma_wait3A_297 = tpu.memref_slice %arg6[%dma_wait3A_281, %dma_wait3A_295, %dma_wait3A_296] : memref<4x128x128xf32, #tpu.memory_space<vmem>> -> memref<1x128x64xf32, #tpu.memory_space<vmem>>
        %dma_wait3A_298 = tpu.memref_squeeze %dma_wait3A_297 : memref<1x128x64xf32, #tpu.memory_space<vmem>> -> memref<128x64xf32, #tpu.memory_space<vmem>>
        tpu.wait_dma2 semaphore(%arg13 : memref<!tpu.dma_semaphore, #tpu.memory_space<semaphore_mem>>) src(%dma_wait3A_298 : memref<128x64xf32, #tpu.memory_space<vmem>>) dst(%dma_wait3A_294 : memref<128x64xf32, #tpu.memory_space<hbm>>)
      } else {
      }
      %add3A_139 = arith.constant 2 : i32
      %add3A_140 = arith.addi %add3A_106, %add3A_139 : i32
      %dma_start3A_141 = arith.constant 2 : i32
      %dma_start3A_142 = arith.constant 0 : i32
      %dma_start3A_143 = arith.constant 0 : i32
      %dma_start3A_144 = tpu.memref_slice %arg6[%dma_start3A_141, %dma_start3A_142, %dma_start3A_143] : memref<4x128x128xf32, #tpu.memory_space<vmem>> -> memref<1x128x128xf32, #tpu.memory_space<vmem>>
      %dma_start3A_145 = tpu.memref_squeeze %dma_start3A_144 : memref<1x128x128xf32, #tpu.memory_space<vmem>> -> memref<128x128xf32, #tpu.memory_space<vmem>>
      %dma_start3A_146 = arith.constant 0 : i32
      %dma_start3A_147 = tpu.memref_slice %arg5[%add3A_140, %dma_start3A_146] : memref<200x128xi32, #tpu.memory_space<vmem>> -> memref<1x128xi32, #tpu.memory_space<vmem>>
      %dma_start3A_148 = tpu.memref_squeeze %dma_start3A_147 : memref<1x128xi32, #tpu.memory_space<vmem>> -> memref<128xi32, #tpu.memory_space<vmem>>
      %dma_start3A_149 = arith.constant 0 : i32
      %dma_start3A_150 = arith.constant 0 : i32
      %dma_start3A_151 = tpu.memref_slice %arg2[%dma_start3A_149, %dma_start3A_150] : memref<1000000x128xf32, #tpu.memory_space<hbm>> -> memref<1000000x128xf32, #tpu.memory_space<hbm>>
      tpu.enqueue_indirect_dma source(%dma_start3A_151 : memref<1000000x128xf32, #tpu.memory_space<hbm>>) target(%dma_start3A_145 : memref<128x128xf32, #tpu.memory_space<vmem>>) offsets(%dma_start3A_148 : memref<128xi32, #tpu.memory_space<vmem>>) semaphore(%arg9 : memref<!tpu.dma_semaphore, #tpu.memory_space<semaphore_mem>>)
      %mul3A_152 = arith.constant 4 : i32
      %mul3A_153 = arith.muli %scan3A_102, %mul3A_152 : i32
      %add3A_154 = arith.constant 1 : i32
      %add3A_155 = arith.addi %mul3A_153, %add3A_154 : i32
      %dma_wait3A_156 = arith.constant 1 : i32
      %dma_wait3A_157 = arith.constant 0 : i32
      %dma_wait3A_158 = arith.constant 0 : i32
      %dma_wait3A_159 = tpu.memref_slice %arg6[%dma_wait3A_156, %dma_wait3A_157, %dma_wait3A_158] : memref<4x128x128xf32, #tpu.memory_space<vmem>> -> memref<1x128x128xf32, #tpu.memory_space<vmem>>
      %dma_wait3A_160 = tpu.memref_squeeze %dma_wait3A_159 : memref<1x128x128xf32, #tpu.memory_space<vmem>> -> memref<128x128xf32, #tpu.memory_space<vmem>>
      %dma_wait3A_161 = arith.constant 0 : i32
      %dma_wait3A_162 = arith.constant 0 : i32
      %dma_wait3A_163 = tpu.memref_slice %arg2[%dma_wait3A_161, %dma_wait3A_162] : memref<1000000x128xf32, #tpu.memory_space<hbm>> -> memref<128x128xf32, #tpu.memory_space<hbm>>
      %dma_wait3A_164 = arith.constant 0 : i32
      %dma_wait3A_165 = arith.constant 0 : i32
      %dma_wait3A_166 = tpu.memref_slice %arg6[%dma_wait3A_156, %dma_wait3A_164, %dma_wait3A_165] : memref<4x128x128xf32, #tpu.memory_space<vmem>> -> memref<1x128x128xf32, #tpu.memory_space<vmem>>
      %dma_wait3A_167 = tpu.memref_squeeze %dma_wait3A_166 : memref<1x128x128xf32, #tpu.memory_space<vmem>> -> memref<128x128xf32, #tpu.memory_space<vmem>>
      %dma_wait3A_168 = arith.constant 0 : i32
      %dma_wait3A_169 = arith.constant 0 : i32
      %dma_wait3A_170 = tpu.memref_slice %arg2[%dma_wait3A_168, %dma_wait3A_169] : memref<1000000x128xf32, #tpu.memory_space<hbm>> -> memref<128x128xf32, #tpu.memory_space<hbm>>
      tpu.wait_dma2 semaphore(%arg8 : memref<!tpu.dma_semaphore, #tpu.memory_space<semaphore_mem>>) src(%dma_wait3A_170 : memref<128x128xf32, #tpu.memory_space<hbm>>) dst(%dma_wait3A_167 : memref<128x128xf32, #tpu.memory_space<vmem>>)
      %dma_start3A_171 = arith.constant 1 : i32
      %dma_start3A_172 = arith.constant 0 : i32
      %dma_start3A_173 = arith.constant 0 : i32
      %dma_start3A_174 = tpu.memref_slice %arg6[%dma_start3A_171, %dma_start3A_172, %dma_start3A_173] : memref<4x128x128xf32, #tpu.memory_space<vmem>> -> memref<1x128x64xf32, #tpu.memory_space<vmem>>
      %dma_start3A_175 = tpu.memref_squeeze %dma_start3A_174 : memref<1x128x64xf32, #tpu.memory_space<vmem>> -> memref<128x64xf32, #tpu.memory_space<vmem>>
      %dma_start3A_176 = arith.constant 0 : i32
      %dma_start3A_177 = tpu.memref_slice %arg4[%mul3A_2, %add3A_155, %dma_start3A_176] : memref<4096x200x128xf32, #tpu.memory_space<hbm>> -> memref<128x1x64xf32, #tpu.memory_space<hbm>>
      %dma_start3A_178 = tpu.memref_squeeze %dma_start3A_177 : memref<128x1x64xf32, #tpu.memory_space<hbm>> -> memref<128x64xf32, #tpu.memory_space<hbm>>
      %dma_start3A_179 = arith.constant 0 : i32
      %dma_start3A_180 = tpu.memref_slice %arg4[%mul3A_2, %add3A_155, %dma_start3A_179] : memref<4096x200x128xf32, #tpu.memory_space<hbm>> -> memref<128x1x64xf32, #tpu.memory_space<hbm>>
      %dma_start3A_181 = tpu.memref_squeeze %dma_start3A_180 : memref<128x1x64xf32, #tpu.memory_space<hbm>> -> memref<128x64xf32, #tpu.memory_space<hbm>>
      %dma_start3A_182 = arith.constant 0 : i32
      %dma_start3A_183 = arith.constant 0 : i32
      %dma_start3A_184 = tpu.memref_slice %arg6[%dma_start3A_171, %dma_start3A_182, %dma_start3A_183] : memref<4x128x128xf32, #tpu.memory_space<vmem>> -> memref<1x128x64xf32, #tpu.memory_space<vmem>>
      %dma_start3A_185 = tpu.memref_squeeze %dma_start3A_184 : memref<1x128x64xf32, #tpu.memory_space<vmem>> -> memref<128x64xf32, #tpu.memory_space<vmem>>
      tpu.enqueue_dma source(%dma_start3A_185 : memref<128x64xf32, #tpu.memory_space<vmem>>) target(%dma_start3A_181 : memref<128x64xf32, #tpu.memory_space<hbm>>) target_semaphore(%arg12 : memref<!tpu.dma_semaphore, #tpu.memory_space<semaphore_mem>>)
      %ge3A_186 = arith.constant 2 : i32
      %ge3A_187 = arith.cmpi sge, %add3A_155, %ge3A_186 : i32
      %convert_element_type3A_188 = arith.extui %ge3A_187 : i1 to i32
      %cond3A_189 = arith.constant 0 : i32
      %cond3A_190 = arith.cmpi ne, %convert_element_type3A_188, %cond3A_189 : i32
      scf.if %cond3A_190 {
        %dma_wait3A_281 = arith.constant 3 : i32
        %dma_wait3A_282 = arith.constant 0 : i32
        %dma_wait3A_283 = arith.constant 0 : i32
        %dma_wait3A_284 = arith.constant 0 : i32
        %dma_wait3A_285 = tpu.memref_slice %arg6[%dma_wait3A_281, %dma_wait3A_283, %dma_wait3A_284] : memref<4x128x128xf32, #tpu.memory_space<vmem>> -> memref<1x128x64xf32, #tpu.memory_space<vmem>>
        %dma_wait3A_286 = tpu.memref_squeeze %dma_wait3A_285 : memref<1x128x64xf32, #tpu.memory_space<vmem>> -> memref<128x64xf32, #tpu.memory_space<vmem>>
        %dma_wait3A_287 = arith.constant 0 : i32
        %dma_wait3A_288 = arith.constant 0 : i32
        %dma_wait3A_289 = tpu.memref_slice %arg4[%dma_wait3A_287, %dma_wait3A_282, %dma_wait3A_288] : memref<4096x200x128xf32, #tpu.memory_space<hbm>> -> memref<128x1x64xf32, #tpu.memory_space<hbm>>
        %dma_wait3A_290 = tpu.memref_squeeze %dma_wait3A_289 : memref<128x1x64xf32, #tpu.memory_space<hbm>> -> memref<128x64xf32, #tpu.memory_space<hbm>>
        %dma_wait3A_291 = arith.constant 0 : i32
        %dma_wait3A_292 = arith.constant 0 : i32
        %dma_wait3A_293 = tpu.memref_slice %arg4[%dma_wait3A_291, %dma_wait3A_282, %dma_wait3A_292] : memref<4096x200x128xf32, #tpu.memory_space<hbm>> -> memref<128x1x64xf32, #tpu.memory_space<hbm>>
        %dma_wait3A_294 = tpu.memref_squeeze %dma_wait3A_293 : memref<128x1x64xf32, #tpu.memory_space<hbm>> -> memref<128x64xf32, #tpu.memory_space<hbm>>
        %dma_wait3A_295 = arith.constant 0 : i32
        %dma_wait3A_296 = arith.constant 0 : i32
        %dma_wait3A_297 = tpu.memref_slice %arg6[%dma_wait3A_281, %dma_wait3A_295, %dma_wait3A_296] : memref<4x128x128xf32, #tpu.memory_space<vmem>> -> memref<1x128x64xf32, #tpu.memory_space<vmem>>
        %dma_wait3A_298 = tpu.memref_squeeze %dma_wait3A_297 : memref<1x128x64xf32, #tpu.memory_space<vmem>> -> memref<128x64xf32, #tpu.memory_space<vmem>>
        tpu.wait_dma2 semaphore(%arg14 : memref<!tpu.dma_semaphore, #tpu.memory_space<semaphore_mem>>) src(%dma_wait3A_298 : memref<128x64xf32, #tpu.memory_space<vmem>>) dst(%dma_wait3A_294 : memref<128x64xf32, #tpu.memory_space<hbm>>)
      } else {
      }
      %add3A_191 = arith.constant 2 : i32
      %add3A_192 = arith.addi %add3A_155, %add3A_191 : i32
      %dma_start3A_193 = arith.constant 3 : i32
      %dma_start3A_194 = arith.constant 0 : i32
      %dma_start3A_195 = arith.constant 0 : i32
      %dma_start3A_196 = tpu.memref_slice %arg6[%dma_start3A_193, %dma_start3A_194, %dma_start3A_195] : memref<4x128x128xf32, #tpu.memory_space<vmem>> -> memref<1x128x128xf32, #tpu.memory_space<vmem>>
      %dma_start3A_197 = tpu.memref_squeeze %dma_start3A_196 : memref<1x128x128xf32, #tpu.memory_space<vmem>> -> memref<128x128xf32, #tpu.memory_space<vmem>>
      %dma_start3A_198 = arith.constant 0 : i32
      %dma_start3A_199 = tpu.memref_slice %arg5[%add3A_192, %dma_start3A_198] : memref<200x128xi32, #tpu.memory_space<vmem>> -> memref<1x128xi32, #tpu.memory_space<vmem>>
      %dma_start3A_200 = tpu.memref_squeeze %dma_start3A_199 : memref<1x128xi32, #tpu.memory_space<vmem>> -> memref<128xi32, #tpu.memory_space<vmem>>
      %dma_start3A_201 = arith.constant 0 : i32
      %dma_start3A_202 = arith.constant 0 : i32
      %dma_start3A_203 = tpu.memref_slice %arg2[%dma_start3A_201, %dma_start3A_202] : memref<1000000x128xf32, #tpu.memory_space<hbm>> -> memref<1000000x128xf32, #tpu.memory_space<hbm>>
      tpu.enqueue_indirect_dma source(%dma_start3A_203 : memref<1000000x128xf32, #tpu.memory_space<hbm>>) target(%dma_start3A_197 : memref<128x128xf32, #tpu.memory_space<vmem>>) offsets(%dma_start3A_200 : memref<128xi32, #tpu.memory_space<vmem>>) semaphore(%arg10 : memref<!tpu.dma_semaphore, #tpu.memory_space<semaphore_mem>>)
      %mul3A_204 = arith.constant 4 : i32
      %mul3A_205 = arith.muli %scan3A_102, %mul3A_204 : i32
      %add3A_206 = arith.constant 2 : i32
      %add3A_207 = arith.addi %mul3A_205, %add3A_206 : i32
      %dma_wait3A_208 = arith.constant 2 : i32
      %dma_wait3A_209 = arith.constant 0 : i32
      %dma_wait3A_210 = arith.constant 0 : i32
      %dma_wait3A_211 = tpu.memref_slice %arg6[%dma_wait3A_208, %dma_wait3A_209, %dma_wait3A_210] : memref<4x128x128xf32, #tpu.memory_space<vmem>> -> memref<1x128x128xf32, #tpu.memory_space<vmem>>
      %dma_wait3A_212 = tpu.memref_squeeze %dma_wait3A_211 : memref<1x128x128xf32, #tpu.memory_space<vmem>> -> memref<128x128xf32, #tpu.memory_space<vmem>>
      %dma_wait3A_213 = arith.constant 0 : i32
      %dma_wait3A_214 = arith.constant 0 : i32
      %dma_wait3A_215 = tpu.memref_slice %arg2[%dma_wait3A_213, %dma_wait3A_214] : memref<1000000x128xf32, #tpu.memory_space<hbm>> -> memref<128x128xf32, #tpu.memory_space<hbm>>
      %dma_wait3A_216 = arith.constant 0 : i32
      %dma_wait3A_217 = arith.constant 0 : i32
      %dma_wait3A_218 = tpu.memref_slice %arg6[%dma_wait3A_208, %dma_wait3A_216, %dma_wait3A_217] : memref<4x128x128xf32, #tpu.memory_space<vmem>> -> memref<1x128x128xf32, #tpu.memory_space<vmem>>
      %dma_wait3A_219 = tpu.memref_squeeze %dma_wait3A_218 : memref<1x128x128xf32, #tpu.memory_space<vmem>> -> memref<128x128xf32, #tpu.memory_space<vmem>>
      %dma_wait3A_220 = arith.constant 0 : i32
      %dma_wait3A_221 = arith.constant 0 : i32
      %dma_wait3A_222 = tpu.memref_slice %arg2[%dma_wait3A_220, %dma_wait3A_221] : memref<1000000x128xf32, #tpu.memory_space<hbm>> -> memref<128x128xf32, #tpu.memory_space<hbm>>
      tpu.wait_dma2 semaphore(%arg9 : memref<!tpu.dma_semaphore, #tpu.memory_space<semaphore_mem>>) src(%dma_wait3A_222 : memref<128x128xf32, #tpu.memory_space<hbm>>) dst(%dma_wait3A_219 : memref<128x128xf32, #tpu.memory_space<vmem>>)
      %dma_start3A_223 = arith.constant 2 : i32
      %dma_start3A_224 = arith.constant 0 : i32
      %dma_start3A_225 = arith.constant 0 : i32
      %dma_start3A_226 = tpu.memref_slice %arg6[%dma_start3A_223, %dma_start3A_224, %dma_start3A_225] : memref<4x128x128xf32, #tpu.memory_space<vmem>> -> memref<1x128x64xf32, #tpu.memory_space<vmem>>
      %dma_start3A_227 = tpu.memref_squeeze %dma_start3A_226 : memref<1x128x64xf32, #tpu.memory_space<vmem>> -> memref<128x64xf32, #tpu.memory_space<vmem>>
      %dma_start3A_228 = arith.constant 0 : i32
      %dma_start3A_229 = tpu.memref_slice %arg4[%mul3A_2, %add3A_207, %dma_start3A_228] : memref<4096x200x128xf32, #tpu.memory_space<hbm>> -> memref<128x1x64xf32, #tpu.memory_space<hbm>>
      %dma_start3A_230 = tpu.memref_squeeze %dma_start3A_229 : memref<128x1x64xf32, #tpu.memory_space<hbm>> -> memref<128x64xf32, #tpu.memory_space<hbm>>
      %dma_start3A_231 = arith.constant 0 : i32
      %dma_start3A_232 = tpu.memref_slice %arg4[%mul3A_2, %add3A_207, %dma_start3A_231] : memref<4096x200x128xf32, #tpu.memory_space<hbm>> -> memref<128x1x64xf32, #tpu.memory_space<hbm>>
      %dma_start3A_233 = tpu.memref_squeeze %dma_start3A_232 : memref<128x1x64xf32, #tpu.memory_space<hbm>> -> memref<128x64xf32, #tpu.memory_space<hbm>>
      %dma_start3A_234 = arith.constant 0 : i32
      %dma_start3A_235 = arith.constant 0 : i32
      %dma_start3A_236 = tpu.memref_slice %arg6[%dma_start3A_223, %dma_start3A_234, %dma_start3A_235] : memref<4x128x128xf32, #tpu.memory_space<vmem>> -> memref<1x128x64xf32, #tpu.memory_space<vmem>>
      %dma_start3A_237 = tpu.memref_squeeze %dma_start3A_236 : memref<1x128x64xf32, #tpu.memory_space<vmem>> -> memref<128x64xf32, #tpu.memory_space<vmem>>
      tpu.enqueue_dma source(%dma_start3A_237 : memref<128x64xf32, #tpu.memory_space<vmem>>) target(%dma_start3A_233 : memref<128x64xf32, #tpu.memory_space<hbm>>) target_semaphore(%arg13 : memref<!tpu.dma_semaphore, #tpu.memory_space<semaphore_mem>>)
      %lt3A = arith.constant 49 : i32
      %lt3A_238 = arith.cmpi slt, %scan3A_102, %lt3A : i32
      %convert_element_type3A_239 = arith.extui %lt3A_238 : i1 to i32
      %cond3A_240 = arith.constant 0 : i32
      %cond3A_241 = arith.cmpi ne, %convert_element_type3A_239, %cond3A_240 : i32
      scf.if %cond3A_241 {
        %ge3A_281 = arith.constant 2 : i32
        %ge3A_282 = arith.cmpi sge, %add3A_207, %ge3A_281 : i32
        %convert_element_type3A_283 = arith.extui %ge3A_282 : i1 to i32
        %cond3A_284 = arith.constant 0 : i32
        %cond3A_285 = arith.cmpi ne, %convert_element_type3A_283, %cond3A_284 : i32
        scf.if %cond3A_285 {
          %dma_wait3A_299 = arith.constant 0 : i32
          %dma_wait3A_300 = arith.constant 0 : i32
          %dma_wait3A_301 = arith.constant 0 : i32
          %dma_wait3A_302 = arith.constant 0 : i32
          %dma_wait3A_303 = tpu.memref_slice %arg6[%dma_wait3A_299, %dma_wait3A_301, %dma_wait3A_302] : memref<4x128x128xf32, #tpu.memory_space<vmem>> -> memref<1x128x64xf32, #tpu.memory_space<vmem>>
          %dma_wait3A_304 = tpu.memref_squeeze %dma_wait3A_303 : memref<1x128x64xf32, #tpu.memory_space<vmem>> -> memref<128x64xf32, #tpu.memory_space<vmem>>
          %dma_wait3A_305 = arith.constant 0 : i32
          %dma_wait3A_306 = arith.constant 0 : i32
          %dma_wait3A_307 = tpu.memref_slice %arg4[%dma_wait3A_305, %dma_wait3A_300, %dma_wait3A_306] : memref<4096x200x128xf32, #tpu.memory_space<hbm>> -> memref<128x1x64xf32, #tpu.memory_space<hbm>>
          %dma_wait3A_308 = tpu.memref_squeeze %dma_wait3A_307 : memref<128x1x64xf32, #tpu.memory_space<hbm>> -> memref<128x64xf32, #tpu.memory_space<hbm>>
          %dma_wait3A_309 = arith.constant 0 : i32
          %dma_wait3A_310 = arith.constant 0 : i32
          %dma_wait3A_311 = tpu.memref_slice %arg4[%dma_wait3A_309, %dma_wait3A_300, %dma_wait3A_310] : memref<4096x200x128xf32, #tpu.memory_space<hbm>> -> memref<128x1x64xf32, #tpu.memory_space<hbm>>
          %dma_wait3A_312 = tpu.memref_squeeze %dma_wait3A_311 : memref<128x1x64xf32, #tpu.memory_space<hbm>> -> memref<128x64xf32, #tpu.memory_space<hbm>>
          %dma_wait3A_313 = arith.constant 0 : i32
          %dma_wait3A_314 = arith.constant 0 : i32
          %dma_wait3A_315 = tpu.memref_slice %arg6[%dma_wait3A_299, %dma_wait3A_313, %dma_wait3A_314] : memref<4x128x128xf32, #tpu.memory_space<vmem>> -> memref<1x128x64xf32, #tpu.memory_space<vmem>>
          %dma_wait3A_316 = tpu.memref_squeeze %dma_wait3A_315 : memref<1x128x64xf32, #tpu.memory_space<vmem>> -> memref<128x64xf32, #tpu.memory_space<vmem>>
          tpu.wait_dma2 semaphore(%arg11 : memref<!tpu.dma_semaphore, #tpu.memory_space<semaphore_mem>>) src(%dma_wait3A_316 : memref<128x64xf32, #tpu.memory_space<vmem>>) dst(%dma_wait3A_312 : memref<128x64xf32, #tpu.memory_space<hbm>>)
        } else {
        }
        %add3A_286 = arith.constant 2 : i32
        %add3A_287 = arith.addi %add3A_207, %add3A_286 : i32
        %dma_start3A_288 = arith.constant 0 : i32
        %dma_start3A_289 = arith.constant 0 : i32
        %dma_start3A_290 = arith.constant 0 : i32
        %dma_start3A_291 = tpu.memref_slice %arg6[%dma_start3A_288, %dma_start3A_289, %dma_start3A_290] : memref<4x128x128xf32, #tpu.memory_space<vmem>> -> memref<1x128x128xf32, #tpu.memory_space<vmem>>
        %dma_start3A_292 = tpu.memref_squeeze %dma_start3A_291 : memref<1x128x128xf32, #tpu.memory_space<vmem>> -> memref<128x128xf32, #tpu.memory_space<vmem>>
        %dma_start3A_293 = arith.constant 0 : i32
        %dma_start3A_294 = tpu.memref_slice %arg5[%add3A_287, %dma_start3A_293] : memref<200x128xi32, #tpu.memory_space<vmem>> -> memref<1x128xi32, #tpu.memory_space<vmem>>
        %dma_start3A_295 = tpu.memref_squeeze %dma_start3A_294 : memref<1x128xi32, #tpu.memory_space<vmem>> -> memref<128xi32, #tpu.memory_space<vmem>>
        %dma_start3A_296 = arith.constant 0 : i32
        %dma_start3A_297 = arith.constant 0 : i32
        %dma_start3A_298 = tpu.memref_slice %arg2[%dma_start3A_296, %dma_start3A_297] : memref<1000000x128xf32, #tpu.memory_space<hbm>> -> memref<1000000x128xf32, #tpu.memory_space<hbm>>
        tpu.enqueue_indirect_dma source(%dma_start3A_298 : memref<1000000x128xf32, #tpu.memory_space<hbm>>) target(%dma_start3A_292 : memref<128x128xf32, #tpu.memory_space<vmem>>) offsets(%dma_start3A_295 : memref<128xi32, #tpu.memory_space<vmem>>) semaphore(%arg7 : memref<!tpu.dma_semaphore, #tpu.memory_space<semaphore_mem>>)
      } else {
      }
      %mul3A_242 = arith.constant 4 : i32
      %mul3A_243 = arith.muli %scan3A_102, %mul3A_242 : i32
      %add3A_244 = arith.constant 3 : i32
      %add3A_245 = arith.addi %mul3A_243, %add3A_244 : i32
      %dma_wait3A_246 = arith.constant 3 : i32
      %dma_wait3A_247 = arith.constant 0 : i32
      %dma_wait3A_248 = arith.constant 0 : i32
      %dma_wait3A_249 = tpu.memref_slice %arg6[%dma_wait3A_246, %dma_wait3A_247, %dma_wait3A_248] : memref<4x128x128xf32, #tpu.memory_space<vmem>> -> memref<1x128x128xf32, #tpu.memory_space<vmem>>
      %dma_wait3A_250 = tpu.memref_squeeze %dma_wait3A_249 : memref<1x128x128xf32, #tpu.memory_space<vmem>> -> memref<128x128xf32, #tpu.memory_space<vmem>>
      %dma_wait3A_251 = arith.constant 0 : i32
      %dma_wait3A_252 = arith.constant 0 : i32
      %dma_wait3A_253 = tpu.memref_slice %arg2[%dma_wait3A_251, %dma_wait3A_252] : memref<1000000x128xf32, #tpu.memory_space<hbm>> -> memref<128x128xf32, #tpu.memory_space<hbm>>
      %dma_wait3A_254 = arith.constant 0 : i32
      %dma_wait3A_255 = arith.constant 0 : i32
      %dma_wait3A_256 = tpu.memref_slice %arg6[%dma_wait3A_246, %dma_wait3A_254, %dma_wait3A_255] : memref<4x128x128xf32, #tpu.memory_space<vmem>> -> memref<1x128x128xf32, #tpu.memory_space<vmem>>
      %dma_wait3A_257 = tpu.memref_squeeze %dma_wait3A_256 : memref<1x128x128xf32, #tpu.memory_space<vmem>> -> memref<128x128xf32, #tpu.memory_space<vmem>>
      %dma_wait3A_258 = arith.constant 0 : i32
      %dma_wait3A_259 = arith.constant 0 : i32
      %dma_wait3A_260 = tpu.memref_slice %arg2[%dma_wait3A_258, %dma_wait3A_259] : memref<1000000x128xf32, #tpu.memory_space<hbm>> -> memref<128x128xf32, #tpu.memory_space<hbm>>
      tpu.wait_dma2 semaphore(%arg10 : memref<!tpu.dma_semaphore, #tpu.memory_space<semaphore_mem>>) src(%dma_wait3A_260 : memref<128x128xf32, #tpu.memory_space<hbm>>) dst(%dma_wait3A_257 : memref<128x128xf32, #tpu.memory_space<vmem>>)
      %dma_start3A_261 = arith.constant 3 : i32
      %dma_start3A_262 = arith.constant 0 : i32
      %dma_start3A_263 = arith.constant 0 : i32
      %dma_start3A_264 = tpu.memref_slice %arg6[%dma_start3A_261, %dma_start3A_262, %dma_start3A_263] : memref<4x128x128xf32, #tpu.memory_space<vmem>> -> memref<1x128x64xf32, #tpu.memory_space<vmem>>
      %dma_start3A_265 = tpu.memref_squeeze %dma_start3A_264 : memref<1x128x64xf32, #tpu.memory_space<vmem>> -> memref<128x64xf32, #tpu.memory_space<vmem>>
      %dma_start3A_266 = arith.constant 0 : i32
      %dma_start3A_267 = tpu.memref_slice %arg4[%mul3A_2, %add3A_245, %dma_start3A_266] : memref<4096x200x128xf32, #tpu.memory_space<hbm>> -> memref<128x1x64xf32, #tpu.memory_space<hbm>>
      %dma_start3A_268 = tpu.memref_squeeze %dma_start3A_267 : memref<128x1x64xf32, #tpu.memory_space<hbm>> -> memref<128x64xf32, #tpu.memory_space<hbm>>
      %dma_start3A_269 = arith.constant 0 : i32
      %dma_start3A_270 = tpu.memref_slice %arg4[%mul3A_2, %add3A_245, %dma_start3A_269] : memref<4096x200x128xf32, #tpu.memory_space<hbm>> -> memref<128x1x64xf32, #tpu.memory_space<hbm>>
      %dma_start3A_271 = tpu.memref_squeeze %dma_start3A_270 : memref<128x1x64xf32, #tpu.memory_space<hbm>> -> memref<128x64xf32, #tpu.memory_space<hbm>>
      %dma_start3A_272 = arith.constant 0 : i32
      %dma_start3A_273 = arith.constant 0 : i32
      %dma_start3A_274 = tpu.memref_slice %arg6[%dma_start3A_261, %dma_start3A_272, %dma_start3A_273] : memref<4x128x128xf32, #tpu.memory_space<vmem>> -> memref<1x128x64xf32, #tpu.memory_space<vmem>>
      %dma_start3A_275 = tpu.memref_squeeze %dma_start3A_274 : memref<1x128x64xf32, #tpu.memory_space<vmem>> -> memref<128x64xf32, #tpu.memory_space<vmem>>
      tpu.enqueue_dma source(%dma_start3A_275 : memref<128x64xf32, #tpu.memory_space<vmem>>) target(%dma_start3A_271 : memref<128x64xf32, #tpu.memory_space<hbm>>) target_semaphore(%arg14 : memref<!tpu.dma_semaphore, #tpu.memory_space<semaphore_mem>>)
      %lt3A_276 = arith.constant 49 : i32
      %lt3A_277 = arith.cmpi slt, %scan3A_102, %lt3A_276 : i32
      %convert_element_type3A_278 = arith.extui %lt3A_277 : i1 to i32
      %cond3A_279 = arith.constant 0 : i32
      %cond3A_280 = arith.cmpi ne, %convert_element_type3A_278, %cond3A_279 : i32
      scf.if %cond3A_280 {
        %ge3A_281 = arith.constant 2 : i32
        %ge3A_282 = arith.cmpi sge, %add3A_245, %ge3A_281 : i32
        %convert_element_type3A_283 = arith.extui %ge3A_282 : i1 to i32
        %cond3A_284 = arith.constant 0 : i32
        %cond3A_285 = arith.cmpi ne, %convert_element_type3A_283, %cond3A_284 : i32
        scf.if %cond3A_285 {
          %dma_wait3A_299 = arith.constant 1 : i32
          %dma_wait3A_300 = arith.constant 0 : i32
          %dma_wait3A_301 = arith.constant 0 : i32
          %dma_wait3A_302 = arith.constant 0 : i32
          %dma_wait3A_303 = tpu.memref_slice %arg6[%dma_wait3A_299, %dma_wait3A_301, %dma_wait3A_302] : memref<4x128x128xf32, #tpu.memory_space<vmem>> -> memref<1x128x64xf32, #tpu.memory_space<vmem>>
          %dma_wait3A_304 = tpu.memref_squeeze %dma_wait3A_303 : memref<1x128x64xf32, #tpu.memory_space<vmem>> -> memref<128x64xf32, #tpu.memory_space<vmem>>
          %dma_wait3A_305 = arith.constant 0 : i32
          %dma_wait3A_306 = arith.constant 0 : i32
          %dma_wait3A_307 = tpu.memref_slice %arg4[%dma_wait3A_305, %dma_wait3A_300, %dma_wait3A_306] : memref<4096x200x128xf32, #tpu.memory_space<hbm>> -> memref<128x1x64xf32, #tpu.memory_space<hbm>>
          %dma_wait3A_308 = tpu.memref_squeeze %dma_wait3A_307 : memref<128x1x64xf32, #tpu.memory_space<hbm>> -> memref<128x64xf32, #tpu.memory_space<hbm>>
          %dma_wait3A_309 = arith.constant 0 : i32
          %dma_wait3A_310 = arith.constant 0 : i32
          %dma_wait3A_311 = tpu.memref_slice %arg4[%dma_wait3A_309, %dma_wait3A_300, %dma_wait3A_310] : memref<4096x200x128xf32, #tpu.memory_space<hbm>> -> memref<128x1x64xf32, #tpu.memory_space<hbm>>
          %dma_wait3A_312 = tpu.memref_squeeze %dma_wait3A_311 : memref<128x1x64xf32, #tpu.memory_space<hbm>> -> memref<128x64xf32, #tpu.memory_space<hbm>>
          %dma_wait3A_313 = arith.constant 0 : i32
          %dma_wait3A_314 = arith.constant 0 : i32
          %dma_wait3A_315 = tpu.memref_slice %arg6[%dma_wait3A_299, %dma_wait3A_313, %dma_wait3A_314] : memref<4x128x128xf32, #tpu.memory_space<vmem>> -> memref<1x128x64xf32, #tpu.memory_space<vmem>>
          %dma_wait3A_316 = tpu.memref_squeeze %dma_wait3A_315 : memref<1x128x64xf32, #tpu.memory_space<vmem>> -> memref<128x64xf32, #tpu.memory_space<vmem>>
          tpu.wait_dma2 semaphore(%arg12 : memref<!tpu.dma_semaphore, #tpu.memory_space<semaphore_mem>>) src(%dma_wait3A_316 : memref<128x64xf32, #tpu.memory_space<vmem>>) dst(%dma_wait3A_312 : memref<128x64xf32, #tpu.memory_space<hbm>>)
        } else {
        }
        %add3A_286 = arith.constant 2 : i32
        %add3A_287 = arith.addi %add3A_245, %add3A_286 : i32
        %dma_start3A_288 = arith.constant 1 : i32
        %dma_start3A_289 = arith.constant 0 : i32
        %dma_start3A_290 = arith.constant 0 : i32
        %dma_start3A_291 = tpu.memref_slice %arg6[%dma_start3A_288, %dma_start3A_289, %dma_start3A_290] : memref<4x128x128xf32, #tpu.memory_space<vmem>> -> memref<1x128x128xf32, #tpu.memory_space<vmem>>
        %dma_start3A_292 = tpu.memref_squeeze %dma_start3A_291 : memref<1x128x128xf32, #tpu.memory_space<vmem>> -> memref<128x128xf32, #tpu.memory_space<vmem>>
        %dma_start3A_293 = arith.constant 0 : i32
        %dma_start3A_294 = tpu.memref_slice %arg5[%add3A_287, %dma_start3A_293] : memref<200x128xi32, #tpu.memory_space<vmem>> -> memref<1x128xi32, #tpu.memory_space<vmem>>
        %dma_start3A_295 = tpu.memref_squeeze %dma_start3A_294 : memref<1x128xi32, #tpu.memory_space<vmem>> -> memref<128xi32, #tpu.memory_space<vmem>>
        %dma_start3A_296 = arith.constant 0 : i32
        %dma_start3A_297 = arith.constant 0 : i32
        %dma_start3A_298 = tpu.memref_slice %arg2[%dma_start3A_296, %dma_start3A_297] : memref<1000000x128xf32, #tpu.memory_space<hbm>> -> memref<1000000x128xf32, #tpu.memory_space<hbm>>
        tpu.enqueue_indirect_dma source(%dma_start3A_298 : memref<1000000x128xf32, #tpu.memory_space<hbm>>) target(%dma_start3A_292 : memref<128x128xf32, #tpu.memory_space<vmem>>) offsets(%dma_start3A_295 : memref<128xi32, #tpu.memory_space<vmem>>) semaphore(%arg8 : memref<!tpu.dma_semaphore, #tpu.memory_space<semaphore_mem>>)
      } else {
      }
    }
    %scan3A_30 = arith.constant 50 : i32
    %dma_wait3A = arith.constant 0 : i32
    %dma_wait3A_31 = arith.constant 0 : i32
    %dma_wait3A_32 = arith.constant 0 : i32
    %dma_wait3A_33 = arith.constant 0 : i32
    %dma_wait3A_34 = tpu.memref_slice %arg6[%dma_wait3A, %dma_wait3A_32, %dma_wait3A_33] : memref<4x128x128xf32, #tpu.memory_space<vmem>> -> memref<1x128x64xf32, #tpu.memory_space<vmem>>
    %dma_wait3A_35 = tpu.memref_squeeze %dma_wait3A_34 : memref<1x128x64xf32, #tpu.memory_space<vmem>> -> memref<128x64xf32, #tpu.memory_space<vmem>>
    %dma_wait3A_36 = arith.constant 0 : i32
    %dma_wait3A_37 = arith.constant 0 : i32
    %dma_wait3A_38 = tpu.memref_slice %arg4[%dma_wait3A_36, %dma_wait3A_31, %dma_wait3A_37] : memref<4096x200x128xf32, #tpu.memory_space<hbm>> -> memref<128x1x64xf32, #tpu.memory_space<hbm>>
    %dma_wait3A_39 = tpu.memref_squeeze %dma_wait3A_38 : memref<128x1x64xf32, #tpu.memory_space<hbm>> -> memref<128x64xf32, #tpu.memory_space<hbm>>
    %dma_wait3A_40 = arith.constant 0 : i32
    %dma_wait3A_41 = arith.constant 0 : i32
    %dma_wait3A_42 = tpu.memref_slice %arg4[%dma_wait3A_40, %dma_wait3A_31, %dma_wait3A_41] : memref<4096x200x128xf32, #tpu.memory_space<hbm>> -> memref<128x1x64xf32, #tpu.memory_space<hbm>>
    %dma_wait3A_43 = tpu.memref_squeeze %dma_wait3A_42 : memref<128x1x64xf32, #tpu.memory_space<hbm>> -> memref<128x64xf32, #tpu.memory_space<hbm>>
    %dma_wait3A_44 = arith.constant 0 : i32
    %dma_wait3A_45 = arith.constant 0 : i32
    %dma_wait3A_46 = tpu.memref_slice %arg6[%dma_wait3A, %dma_wait3A_44, %dma_wait3A_45] : memref<4x128x128xf32, #tpu.memory_space<vmem>> -> memref<1x128x64xf32, #tpu.memory_space<vmem>>
    %dma_wait3A_47 = tpu.memref_squeeze %dma_wait3A_46 : memref<1x128x64xf32, #tpu.memory_space<vmem>> -> memref<128x64xf32, #tpu.memory_space<vmem>>
    tpu.wait_dma2 semaphore(%arg11 : memref<!tpu.dma_semaphore, #tpu.memory_space<semaphore_mem>>) src(%dma_wait3A_47 : memref<128x64xf32, #tpu.memory_space<vmem>>) dst(%dma_wait3A_43 : memref<128x64xf32, #tpu.memory_space<hbm>>)
    %dma_wait3A_48 = arith.constant 1 : i32
    %dma_wait3A_49 = arith.constant 0 : i32
    %dma_wait3A_50 = arith.constant 0 : i32
    %dma_wait3A_51 = arith.constant 0 : i32
    %dma_wait3A_52 = tpu.memref_slice %arg6[%dma_wait3A_48, %dma_wait3A_50, %dma_wait3A_51] : memref<4x128x128xf32, #tpu.memory_space<vmem>> -> memref<1x128x64xf32, #tpu.memory_space<vmem>>
    %dma_wait3A_53 = tpu.memref_squeeze %dma_wait3A_52 : memref<1x128x64xf32, #tpu.memory_space<vmem>> -> memref<128x64xf32, #tpu.memory_space<vmem>>
    %dma_wait3A_54 = arith.constant 0 : i32
    %dma_wait3A_55 = arith.constant 0 : i32
    %dma_wait3A_56 = tpu.memref_slice %arg4[%dma_wait3A_54, %dma_wait3A_49, %dma_wait3A_55] : memref<4096x200x128xf32, #tpu.memory_space<hbm>> -> memref<128x1x64xf32, #tpu.memory_space<hbm>>
    %dma_wait3A_57 = tpu.memref_squeeze %dma_wait3A_56 : memref<128x1x64xf32, #tpu.memory_space<hbm>> -> memref<128x64xf32, #tpu.memory_space<hbm>>
    %dma_wait3A_58 = arith.constant 0 : i32
    %dma_wait3A_59 = arith.constant 0 : i32
    %dma_wait3A_60 = tpu.memref_slice %arg4[%dma_wait3A_58, %dma_wait3A_49, %dma_wait3A_59] : memref<4096x200x128xf32, #tpu.memory_space<hbm>> -> memref<128x1x64xf32, #tpu.memory_space<hbm>>
    %dma_wait3A_61 = tpu.memref_squeeze %dma_wait3A_60 : memref<128x1x64xf32, #tpu.memory_space<hbm>> -> memref<128x64xf32, #tpu.memory_space<hbm>>
    %dma_wait3A_62 = arith.constant 0 : i32
    %dma_wait3A_63 = arith.constant 0 : i32
    %dma_wait3A_64 = tpu.memref_slice %arg6[%dma_wait3A_48, %dma_wait3A_62, %dma_wait3A_63] : memref<4x128x128xf32, #tpu.memory_space<vmem>> -> memref<1x128x64xf32, #tpu.memory_space<vmem>>
    %dma_wait3A_65 = tpu.memref_squeeze %dma_wait3A_64 : memref<1x128x64xf32, #tpu.memory_space<vmem>> -> memref<128x64xf32, #tpu.memory_space<vmem>>
    tpu.wait_dma2 semaphore(%arg12 : memref<!tpu.dma_semaphore, #tpu.memory_space<semaphore_mem>>) src(%dma_wait3A_65 : memref<128x64xf32, #tpu.memory_space<vmem>>) dst(%dma_wait3A_61 : memref<128x64xf32, #tpu.memory_space<hbm>>)
    %dma_wait3A_66 = arith.constant 2 : i32
    %dma_wait3A_67 = arith.constant 0 : i32
    %dma_wait3A_68 = arith.constant 0 : i32
    %dma_wait3A_69 = arith.constant 0 : i32
    %dma_wait3A_70 = tpu.memref_slice %arg6[%dma_wait3A_66, %dma_wait3A_68, %dma_wait3A_69] : memref<4x128x128xf32, #tpu.memory_space<vmem>> -> memref<1x128x64xf32, #tpu.memory_space<vmem>>
    %dma_wait3A_71 = tpu.memref_squeeze %dma_wait3A_70 : memref<1x128x64xf32, #tpu.memory_space<vmem>> -> memref<128x64xf32, #tpu.memory_space<vmem>>
    %dma_wait3A_72 = arith.constant 0 : i32
    %dma_wait3A_73 = arith.constant 0 : i32
    %dma_wait3A_74 = tpu.memref_slice %arg4[%dma_wait3A_72, %dma_wait3A_67, %dma_wait3A_73] : memref<4096x200x128xf32, #tpu.memory_space<hbm>> -> memref<128x1x64xf32, #tpu.memory_space<hbm>>
    %dma_wait3A_75 = tpu.memref_squeeze %dma_wait3A_74 : memref<128x1x64xf32, #tpu.memory_space<hbm>> -> memref<128x64xf32, #tpu.memory_space<hbm>>
    %dma_wait3A_76 = arith.constant 0 : i32
    %dma_wait3A_77 = arith.constant 0 : i32
    %dma_wait3A_78 = tpu.memref_slice %arg4[%dma_wait3A_76, %dma_wait3A_67, %dma_wait3A_77] : memref<4096x200x128xf32, #tpu.memory_space<hbm>> -> memref<128x1x64xf32, #tpu.memory_space<hbm>>
    %dma_wait3A_79 = tpu.memref_squeeze %dma_wait3A_78 : memref<128x1x64xf32, #tpu.memory_space<hbm>> -> memref<128x64xf32, #tpu.memory_space<hbm>>
    %dma_wait3A_80 = arith.constant 0 : i32
    %dma_wait3A_81 = arith.constant 0 : i32
    %dma_wait3A_82 = tpu.memref_slice %arg6[%dma_wait3A_66, %dma_wait3A_80, %dma_wait3A_81] : memref<4x128x128xf32, #tpu.memory_space<vmem>> -> memref<1x128x64xf32, #tpu.memory_space<vmem>>
    %dma_wait3A_83 = tpu.memref_squeeze %dma_wait3A_82 : memref<1x128x64xf32, #tpu.memory_space<vmem>> -> memref<128x64xf32, #tpu.memory_space<vmem>>
    tpu.wait_dma2 semaphore(%arg13 : memref<!tpu.dma_semaphore, #tpu.memory_space<semaphore_mem>>) src(%dma_wait3A_83 : memref<128x64xf32, #tpu.memory_space<vmem>>) dst(%dma_wait3A_79 : memref<128x64xf32, #tpu.memory_space<hbm>>)
    %dma_wait3A_84 = arith.constant 3 : i32
    %dma_wait3A_85 = arith.constant 0 : i32
    %dma_wait3A_86 = arith.constant 0 : i32
    %dma_wait3A_87 = arith.constant 0 : i32
    %dma_wait3A_88 = tpu.memref_slice %arg6[%dma_wait3A_84, %dma_wait3A_86, %dma_wait3A_87] : memref<4x128x128xf32, #tpu.memory_space<vmem>> -> memref<1x128x64xf32, #tpu.memory_space<vmem>>
    %dma_wait3A_89 = tpu.memref_squeeze %dma_wait3A_88 : memref<1x128x64xf32, #tpu.memory_space<vmem>> -> memref<128x64xf32, #tpu.memory_space<vmem>>
    %dma_wait3A_90 = arith.constant 0 : i32
    %dma_wait3A_91 = arith.constant 0 : i32
    %dma_wait3A_92 = tpu.memref_slice %arg4[%dma_wait3A_90, %dma_wait3A_85, %dma_wait3A_91] : memref<4096x200x128xf32, #tpu.memory_space<hbm>> -> memref<128x1x64xf32, #tpu.memory_space<hbm>>
    %dma_wait3A_93 = tpu.memref_squeeze %dma_wait3A_92 : memref<128x1x64xf32, #tpu.memory_space<hbm>> -> memref<128x64xf32, #tpu.memory_space<hbm>>
    %dma_wait3A_94 = arith.constant 0 : i32
    %dma_wait3A_95 = arith.constant 0 : i32
    %dma_wait3A_96 = tpu.memref_slice %arg4[%dma_wait3A_94, %dma_wait3A_85, %dma_wait3A_95] : memref<4096x200x128xf32, #tpu.memory_space<hbm>> -> memref<128x1x64xf32, #tpu.memory_space<hbm>>
    %dma_wait3A_97 = tpu.memref_squeeze %dma_wait3A_96 : memref<128x1x64xf32, #tpu.memory_space<hbm>> -> memref<128x64xf32, #tpu.memory_space<hbm>>
    %dma_wait3A_98 = arith.constant 0 : i32
    %dma_wait3A_99 = arith.constant 0 : i32
    %dma_wait3A_100 = tpu.memref_slice %arg6[%dma_wait3A_84, %dma_wait3A_98, %dma_wait3A_99] : memref<4x128x128xf32, #tpu.memory_space<vmem>> -> memref<1x128x64xf32, #tpu.memory_space<vmem>>
    %dma_wait3A_101 = tpu.memref_squeeze %dma_wait3A_100 : memref<1x128x64xf32, #tpu.memory_space<vmem>> -> memref<128x64xf32, #tpu.memory_space<vmem>>
    tpu.wait_dma2 semaphore(%arg14 : memref<!tpu.dma_semaphore, #tpu.memory_space<semaphore_mem>>) src(%dma_wait3A_101 : memref<128x64xf32, #tpu.memory_space<vmem>>) dst(%dma_wait3A_97 : memref<128x64xf32, #tpu.memory_space<hbm>>)
    return
  }
}

</mosaic_0001>

<sc_bundles>
// kernel: kernel.3.cloned.1.call-start
scs
__scs_entry_jumppad:
0x0: {  	(pc) =	sbr.rel $0x88, $3  }
0x1: {  	(tag) =	ssettag $0x0;
	lr =	simm.s32 $0x1  }
0x2: {  	[smem:$0x3F9F] =	sst lr;
	_ =	strace $0xD0000000  }
0x3: {  	_ = 	snop  }
0x4: {  	_ = 	snop  }
0x5: {  	_ = 	snop  }
0x6: {  	_ = 	snop  }
0x7: {  	_ = 	snop  }
__scs_overlays_trampoline_lowered:
0x8: {  	[smem:$0x3FAE] =	sst s0  }
0x9: {  	[smem:$0x3FAF] =	sst s1  }
0xa: {  	[smem:$0x3FB0] =	sst s2  }
0xb: {  	[smem:$0x3FB1] =	sst s3  }
0xc: {  	[smem:$0x3FB2] =	sst s4  }
0xd: {  	[smem:$0x3FB3] =	sst s5  }
0xe: {  	[smem:$0x3FB4] =	sst s6  }
0xf: {  	[smem:$0x3FB5] =	sst s7  }
0x10: {  	[smem:$0x3FB6] =	sst s8  }
0x11: {  	[smem:$0x3FB7] =	sst s9;
	s0 =	simm.s32 @!p0 $0x0  }
0x12: {  	s1 =	sld [smem:$0x3F9D];
	s0 =	simm.s32 @p0 $0x1  }
0x13: {  	[smem:$0x3FB8] =	sst s0;
	s0 =	simm.s32 @!p1 $0x0  }
0x14: {  	s2 =	sld [smem:$0x3F9C];
	s0 =	simm.s32 @p1 $0x1  }
0x15: {  	[smem:$0x3FB9] =	sst s0;
	s0 =	simm.s32 @!p2 $0x0  }
0x16: {  	s3 =	sld [smem:$0x3FDB];
	s0 =	simm.s32 @p2 $0x1  }
0x17: {  	s4 =	simm.s32 $0x1BF5;
	[smem:$0x3FBB] =	sst s0  }
0x18: {  	s0 =	sld [smem:$0x3F9E];
	_ =	swait.ge [sflag:s4], $0x0  }
0x19: {  	s7 =	sld [smem:$0x3F9F]  }
0x1a: {  	s8 =	sadd.s32 $0xFFFFE003, lr  }
0x1b: {  	s9 =	sadd.s32 $0xFFFFFEF7, lr;
	s5 =	simm.s32 $0xFFFFFFFF;
	p2 =	slt.u32 s8, $0xFFFFF086  }
0x1c: {  	p1 =	slt.u32 s9, $0xF7A;
	s5 =	simm.s32 @!p2 $0x0  }
0x1d: {  	s5 =	simm.s32 @p1 $0x1;
	p0 =	seq.s32 s7, s2  }
0x1e: {  	s7 =	smul.u32 @!p0 $0xF7A, s2;
	p2 =	seq.s32 @!p0 s5, $0x0  }
0x1f: {  	s9 =	smul.u32 $0xF7A, s1;
	s8 =	simm.s32 @!p0 $0x1BF5;
	p2 =	por !p2, p0  }
0x20: {  	[sflag:s8] =	ssyncset.s32 @!p0 $0xFFFFF086;
	s6 =	sadd.s32 @!p0 s3, s7;
	s7 =	simm.s32 @!p0 $0x108  }
0x21: {  	s3 =	sadd.s32 s3, s9;
	s6 =	sadd.s32 @!p0 $0x88, s6;
	s7 =	simm.s32 @p2 $0x1082  }
0x22: {  	[simem:s7], [sflag:s8] =	dma.local @!p0 [hbm:s6], $0xF7A  }
0x23: {  	s9 =	sor.u32 $0xD0000000, s2;
	s6 =	simm.s32 $0x108;
	_ =	swait.ge @!p0 [sflag:s8], $0x0  }
0x24: {  	s3 =	sadd.s32 $0x88, s3;
	s6 =	simm.s32 @!p1 $0x1082;
	[sflag:s4] =	ssyncset.s32 $0xFFFFF086  }
0x25: {  	[simem:s6], [sflag:s4] =	dma.local [hbm:s3], $0xF7A  }
0x26: {  	[smem:$0x3F9F] =	sst s1;
	(tag) =	ssettag s2;
	_ =	strace s9  }
0x27: {  	s1 =	sld [smem:$0x3FAF]  }
0x28: {  	s2 =	sld [smem:$0x3FB0]  }
0x29: {  	s4 =	sld [smem:$0x3FB2]  }
0x2a: {  	p0 =	seq.s32 s5, $0x0;
	s5 =	sld [smem:$0x3FB3]  }
0x2b: {  	s6 =	sld [smem:$0x3FB4]  }
0x2c: {  	s7 =	sld [smem:$0x3FB5]  }
0x2d: {  	s3 =	simm.s32 $0x108;
	s8 =	sld [smem:$0x3FB6]  }
0x2e: {  	s3 =	simm.s32 @!p0 $0x1082;
	s9 =	sld [smem:$0x3FB7]  }
0x2f: {  	lr =	sadd.s32 s0, s3;
	s0 =	sld [smem:$0x3FAE]  }
0x30: {  	s3 =	sld [smem:$0x3FB1]  }
0x31: {  	[smem:$0x3FBA] =	sst s10  }
0x32: {  	s10 =	sld [smem:$0x3FB8];
	_ =	sdelay $0x3  }
0x33: {  	p0 =	seq.s32 s10, $0x1;
	s10 =	sld [smem:$0x3FBA];
	_ =	sdelay $0x3  }
0x34: {  	[smem:$0x3FBA] =	sst s10  }
0x35: {  	s10 =	sld [smem:$0x3FB9];
	_ =	sdelay $0x3  }
0x36: {  	p1 =	seq.s32 s10, $0x1;
	s10 =	sld [smem:$0x3FBA];
	_ =	sdelay $0x3  }
0x37: {  	[smem:$0x3FBA] =	sst s10  }
0x38: {  	s10 =	sld [smem:$0x3FBB]  }
0x39: {  	_ = 	snop;
	(pc) =	sbr.ind lr, $3  }
0x3a: {  	_ = 	snop  }
0x3b: {  	_ = 	snop  }
0x3c: {  	p2 =	seq.s32 s10, $0x1;
	s10 =	sld [smem:$0x3FBA]  }
0x3d: {  	_ =	shalt  }
0x3e: {  	_ =	shalt  }
0x3f: {  	_ =	shalt  }
0x40: {  	_ =	shalt  }
0x41: {  	_ =	shalt  }
0x42: {  	_ =	shalt  }
0x43: {  	_ =	shalt  }
0x44: {  	_ =	shalt  }
0x45: {  	_ =	shalt  }
0x46: {  	_ =	shalt  }
0x47: {  	_ =	shalt  }
0x48: {  	_ =	shalt  }
0x49: {  	_ =	shalt  }
0x4a: {  	_ =	shalt  }
0x4b: {  	_ =	shalt  }
0x4c: {  	_ =	shalt  }
0x4d: {  	_ =	shalt  }
0x4e: {  	_ =	shalt  }
0x4f: {  	_ =	shalt  }
0x50: {  	_ =	shalt  }
0x51: {  	_ =	shalt  }
0x52: {  	_ =	shalt  }
0x53: {  	_ =	shalt  }
0x54: {  	_ =	shalt  }
0x55: {  	_ =	shalt  }
0x56: {  	_ =	shalt  }
0x57: {  	_ =	shalt  }
0x58: {  	_ =	shalt  }
0x59: {  	_ =	shalt  }
0x5a: {  	_ =	shalt  }
0x5b: {  	_ =	shalt  }
0x5c: {  	_ =	shalt  }
0x5d: {  	_ =	shalt  }
0x5e: {  	_ =	shalt  }
0x5f: {  	_ =	shalt  }
0x60: {  	_ =	shalt  }
0x61: {  	_ =	shalt  }
0x62: {  	_ =	shalt  }
0x63: {  	_ =	shalt  }
0x64: {  	_ =	shalt  }
0x65: {  	_ =	shalt  }
0x66: {  	_ =	shalt  }
0x67: {  	_ =	shalt  }
0x68: {  	_ =	shalt  }
0x69: {  	_ =	shalt  }
0x6a: {  	_ =	shalt  }
0x6b: {  	_ =	shalt  }
0x6c: {  	_ =	shalt  }
0x6d: {  	_ =	shalt  }
0x6e: {  	_ =	shalt  }
0x6f: {  	_ =	shalt  }
0x70: {  	_ =	shalt  }
0x71: {  	_ =	shalt  }
0x72: {  	_ =	shalt  }
0x73: {  	_ =	shalt  }
0x74: {  	_ =	shalt  }
0x75: {  	_ =	shalt  }
0x76: {  	_ =	shalt  }
0x77: {  	_ =	shalt  }
0x78: {  	_ =	shalt  }
0x79: {  	_ =	shalt  }
0x7a: {  	_ =	shalt  }
0x7b: {  	_ =	shalt  }
0x7c: {  	_ =	shalt  }
0x7d: {  	_ =	shalt  }
0x7e: {  	_ =	shalt  }
0x7f: {  	_ =	shalt  }
0x80: {  	_ =	shalt  }
0x81: {  	_ =	shalt  }
0x82: {  	_ =	shalt  }
0x83: {  	_ =	shalt  }
0x84: {  	_ =	shalt  }
0x85: {  	_ =	shalt  }
0x86: {  	_ =	shalt  }
0x87: {  	_ =	shalt  }
.Lfunc_end0:
.L_simem_size_0:
called_computation.1_lowered:
.L_overlay_start_0:
0x88: {  	s2 =	sld [smem:$0x3FD9]  }
0x89: {  	s3 =	sld [smem:$0x3FFE];
	_ =	sdelay $0x1  }
0x8a: {  	s1 =	srdreg.scid  }
0x8b: {  	s0 =	sand.u32 $0x1, s1  }
0x8c: {  	s17 =	sshll.u32 s0, $0xA;
	s2 =	sadd.s32 s3, s2  }
0x8d: {  	s2 =	sadd.s32 s2, s17  }
0x8e: {  	[smem:$0x3FC6] =	sst s2  }
0x8f: {  	_ = 	snop  }
0x90: {  	s2 =	sld [smem:$0x3FD0];
	(tm) =	ssettm $0x1  }
0x91: {  	s18 =	sld [smem:$0x3FFB];
	_ =	sdelay $0x3  }
0x92: {  	_ =	strace s18  }
0x93: {  	s3 =	sld [smem:$0x3FFC];
	_ =	sdelay $0x3  }
0x94: {  	_ =	strace s3  }
0x95: {  	s3 =	sld [smem:$0x3FFD];
	_ =	sdelay $0x3  }
0x96: {  	_ =	strace s3  }
0x97: {  	_ =	strace $0x8FFFFFFF  }
0x98: {  	s19 =	sld [smem:$0x3FDB];
	_ =	sdelay $0x1  }
0x99: {  	s4 =	simm.s32 $_scs_section_size  }
0x9a: {  	s5 =	simm.s32 $_size__tile_overlayer_lowered;
	s6 =	simm.s32 $_tile_overlayer_lowered  }
0x9b: {  	s22 =	simm.s32 $0x1BFF;
	s21 =	sshll.u32 s6, $0x1;
	s3 =	sadd.s32 s4, s19  }
0x9c: {  	s7 =	simm.s32 $0x0;
	s20 =	sshll.u32 s5, $0x1;
	s5 =	sadd.s32 s21, s3  }
0x9d: {  	[timem:s7], [sflag:s22] =	dma.local [hbm:s5], s20  }
0x9e: {  	_ =	swait.ge [sflag:s22], s20  }
0x9f: {  	s4 =	ssub.s32 $0x0, s20;
	[sflag:s22] =	ssyncset.done $0x0  }
0xa0: {  	[sflag:s22] =	ssyncadd.s32 s4;
	_ =	sdelay $0x1  }
0xa1: {  	s23 =	simm.s32 $0x1B8B  }
0xa2: {  	_ =	swait.ge [sflag:s23], $0x1  }
0xa3: {  	[sflag:s23] =	ssyncset.done $0x0  }
0xa4: {  	s25 =	simm.s32 $0x1B8E;
	s24 =	sld [smem:$0x3FFE];
	[sflag:s23] =	ssyncadd.s32 $0xFFFFFFFF  }
0xa5: {  	s26 =	simm.s32 $execute0_lowered;
	[smem:$0x3FD2] =	sst s25  }
0xa6: {  	s5 =	sshll.u32 s26, $0x1;
	_ =	strace $0x80000046;
	[dreg:$0x1] =	wrdreg $0xFFFFFFFF  }
0xa7: {  	s28 =	simm.s32 $_size_execute0_lowered;
	s3 =	sadd.s32 s3, s5;
	[dreg:$0x0] =	wrdreg $0x0  }
0xa8: {  	s5 =	sshll.u32 s28, $0x1;
	[dreg:$0x2] =	wrdreg s3  }
0xa9: {  	[dreg:$0x3] =	wrdreg s5  }
0xaa: {  	[dreg:$0x4] =	wrdreg $0xC0  }
0xab: {  	_ =	task [dreg:s7], $0x5FFFF  }
0xac: {  	[dreg:$0x1] =	wrdreg $0xFFFFFFFF  }
0xad: {  	[dreg:$0x0] =	wrdreg $0x60  }
0xae: {  	[dreg:$0x2] =	wrdreg s24  }
0xaf: {  	[dreg:$0x3] =	wrdreg s2  }
0xb0: {  	[dreg:$0x4] =	wrdreg $0x9  }
0xb1: {  	_ =	task.clear_ibuf [dreg:s7], $0x5FFFF;
	_ =	strace $0x90000046  }
0xb2: {  	s29 =	simm.s32 $0x9;
	_ =	strace $0x80000048  }
0xb3: {  	_ =	swait.ge [sflag:s29], $0x1  }
0xb4: {  	[sflag:s29] =	ssyncadd.s32 $0xFFFFFFFF  }
0xb5: {  	_ =	strace $0x90000048  }
0xb6: {  	_ =	sfence  }
0xb7: {  	s30 =	sld [smem:$0x0];
	_ =	sdelay $0x2  }
0xb8: {  	s31 =	sshll.u32 s1, $0xD;
	s1 =	sshrl.u32 s1, $0x2  }
0xb9: {  	s3 =	sand.u32 $0x4000, s31;
	s1 =	sadd.s32 s1, s30  }
0xba: {  	s0 =	sor.u32 s3, s0;
	s1 =	sshll.u32 s1, $0x11  }
0xbb: {  	s0 =	sor.u32 s1, s0  }
0xbc: {  	s0 =	sadd.s32 $0x8F2B, s0  }
0xbd: {  	[sflag:s0] =	ssyncadd.remote.s32 $0x1  }
0xbe: {  	_ =	sfence.sel $0xFFFF  }
0xbf: {  	[dreg:$0x0] =	wrdreg $0xFFFFFFFF;
	(pc) =	sbr.abs _section_cstart, $3  }
0xc0: {  	[dreg:$0x1] =	wrdreg $0xFFFFFFFF  }
0xc1: {  	_ =	task.clear_ibuf [dreg:s7], $0x2FFFF;
	_ =	strace $0x9FFFFFFF  }
0xc2: {  	(tm) =	ssettm $0x7FFFFFFF  }
0xc3: {  	_ =	shalt  }
tec
execute0_lowered:
.L_overlay_start_1:
0x0: {  	(tag) =	ssettag $0x1  }
0x1: {  	s5 =	rddreg [dreg:$0x0]  }
0x2: {  	s6 =	rddreg [dreg:$0x1]  }
0x3: {  	s0 =	rddreg [dreg:$0x2]  }
0x4: {  	s2 =	simm.s32 $0x0;
	s3 =	srdreg.scid;
	s1 =	stileid.u32  }
0x5: {  	s10 =	simm.s32 $0x1000;
	s11 =	simm.s32 $0x9;
	s12 =	simm.s32 $0x6400  }
0x6: {  	s13 =	simm.s32 $0xA400;
	s14 =	simm.s32 $0x1;
	s15 =	simm.s32 $0xE400  }
0x7: {  	s16 =	simm.s32 $0x2;
	s17 =	simm.s32 $0x12400;
	s18 =	simm.s32 $0x3  }
0x8: {  	s19 =	simm.s32 $0x4;
	s20 =	simm.s32 $0x5;
	s21 =	simm.s32 $0x6  }
0x9: {  	s22 =	simm.s32 $0x7;
	s23 =	simm.s32 $0x8;
	s24 =	simm.s32 $0x0  }
0xa: {  	[smem:$0x7FF] =	sst s2;
	s4 =	sand.u32 $0x1, s3;
	s7 =	sshll.u32 s1, $0x8  }
.Ltmp0:
0xb: {  	s3 =	sadd.s32 $0xF42E00, s5;
	s8 =	sshll.u32 s4, $0x7;
	(pc) =	sbr.rel .LBB2_1-.Ltmp0, $4  }
0xc: {  	s5 =	sadd.s32 $0xA00, s5;
	s9 =	ssub.s32 $0x2, s4;
	s30 =	sor.u32 s8, s7  }
0xd: {  	s31 =	sshrl.u32 s9, $0x1;
	s8 =	sshrl.u32 s30, $0x3;
	s4 =	smul.u32 $0x6400, s30  }
0xe: {  	_ =	strace $0x80000047;
	s9 =	ssub.s32 s9, s31;
	s6 =	sadd.s32 s6, s8  }
0xf: {  	s8 =	smax.u32 s9, $0x1;
	s9 =	simm.s32 $0x80;
	s7 =	sor.u32 $0x80, s4  }
.LBB2_12:
0x10: {  	_ =	swait.ge [sflag:s20], $0x2000  }
0x11: {  	[sflag:s20] =	ssyncset.done $0x0  }
0x12: {  	[sflag:s20] =	ssyncadd.s32 $0xFFFFE000  }
0x13: {  	_ =	swait.ge [sflag:s21], $0x2000  }
0x14: {  	[sflag:s21] =	ssyncset.done $0x0  }
0x15: {  	s24 =	sadd.s32 $0x1, s24;
	[sflag:s21] =	ssyncadd.s32 $0xFFFFE000  }
0x16: {  	p0 =	sne.s32 s24, s8;
	_ =	swait.ge [sflag:s22], $0x2000  }
.Ltmp1:
0x17: {  	[sflag:s22] =	ssyncset.done $0x0;
	(pc) =	sbr.rel @!p0 .LBB2_13-.Ltmp1, $4  }
0x18: {  	[sflag:s22] =	ssyncadd.s32 $0xFFFFE000  }
0x19: {  	_ =	swait.ge [sflag:s23], $0x2000  }
0x1a: {  	[sflag:s23] =	ssyncset.done $0x0  }
0x1b: {  	[sflag:s23] =	ssyncadd.s32 $0xFFFFE000  }
.LBB2_1:
0x1c: {  	[tilespmem:s2], [sflag:$0x9] =	stream.strided.gather [hbm4b:s6+s9], $0x6400, s10, s9, $0x38;
	[tilespmem:$0x16400] =	vst v63  }
0x1d: {  	_ =	swait.ge [sflag:s11], $0x6400  }
0x1e: {  	[sflag:s11] =	ssyncset.done $0x0  }
0x1f: {  	[sflag:s11] =	ssyncadd.s32 $0xFFFF9C00  }
0x20: {  	[tilespmem:s12], [sflag:$0x1] =	stream.indirect.gather [hbm4b:s3+s9], $0x80, s2, s9, $0xb8;
	[tilespmem:$0x16400] =	vst v63  }
0x21: {  	s25 =	simm.s32 $0x0  }
0x22: {  	[tilespmem:s13], [sflag:$0x2] =	stream.indirect.gather [hbm4b:s3+s9], $0x80, s9, s9, $0xb8;
	[tilespmem:$0x16400] =	vst v63  }
.LBB2_2:
0x23: {  	s26 =	sshll.u32 s25, $0x9  }
0x24: {  	_ =	swait.ge [sflag:s14], $0x4000;
	s28 =	sor.u32 s4, s26  }
0x25: {  	[sflag:s14] =	ssyncset.done $0x0;
	s28 =	sshrl.u32 s28, $0x3  }
0x26: {  	s29 =	simm.s32 $0x6400;
	[sflag:s14] =	ssyncadd.s32 $0xFFFFC000;
	s28 =	sadd.s32 s5, s28  }
0x27: {  	[hbm4b:s28+s2] =	stream.linear.scatter [tilespmem:s29], [sflag:$0x5], $0x40, $0x38;
	[tilespmem:$0x16400] =	vst v63  }
0x28: {  	s29 =	simm.s32 $0x200  }
.LBB2_3:
0x29: {  	p0 =	sne.s32 s29, $0xFE00  }
.Ltmp2:
0x2a: {  	_ = 	snop;
	(pc) =	sbr.rel @p0 .LBB2_3-.Ltmp2, $4  }
0x2b: {  	_ = 	snop  }
0x2c: {  	s30 =	sshra.s32 s29, $0x2;
	s29 =	sadd.s32 $0x200, s29  }
0x2d: {  	s28 =	sadd.s32 $0xC80, s28;
	s30 =	sadd.s32 $0x6400, s30  }
0x2e: {  	[hbm4b:s28+s2] =	stream.linear.scatter [tilespmem:s30], [sflag:$0x5], $0x40, $0x38;
	[tilespmem:$0x16400] =	vst v63  }
0x2f: {  	p0 =	seq.s32 s25, $0x0  }
0x30: {  	s28 =	simm.s32 @!p0 $0x7  }
0x31: {  	_ =	swait.ge @!p0 [sflag:s28], $0x2000  }
0x32: {  	[sflag:s28] =	ssyncset.done @!p0 $0x0  }
0x33: {  	s29 =	sor.u32 $0x100, s26;
	[sflag:s28] =	ssyncadd.s32 @!p0 $0xFFFFE000  }
0x34: {  	[tilespmem:s15], [sflag:$0x3] =	stream.indirect.gather [hbm4b:s3+s9], $0x80, s29, s9, $0xb8;
	[tilespmem:$0x16400] =	vst v63  }
0x35: {  	s28 =	sor.u32 s7, s26;
	_ =	swait.ge [sflag:s16], $0x4000  }
0x36: {  	s28 =	sshrl.u32 s28, $0x3;
	[sflag:s16] =	ssyncset.done $0x0  }
0x37: {  	s30 =	simm.s32 $0xA400;
	s28 =	sadd.s32 s5, s28;
	[sflag:s16] =	ssyncadd.s32 $0xFFFFC000  }
0x38: {  	[hbm4b:s28+s2] =	stream.linear.scatter [tilespmem:s30], [sflag:$0x6], $0x40, $0x38;
	[tilespmem:$0x16400] =	vst v63  }
0x39: {  	s30 =	simm.s32 $0x200  }
.LBB2_5:
0x3a: {  	p1 =	sne.s32 s30, $0xFE00  }
.Ltmp3:
0x3b: {  	_ = 	snop;
	(pc) =	sbr.rel @p1 .LBB2_5-.Ltmp3, $4  }
0x3c: {  	_ = 	snop  }
0x3d: {  	s31 =	sshra.s32 s30, $0x2;
	s30 =	sadd.s32 $0x200, s30  }
0x3e: {  	s28 =	sadd.s32 $0xC80, s28;
	s31 =	sadd.s32 $0xA400, s31  }
0x3f: {  	[hbm4b:s28+s2] =	stream.linear.scatter [tilespmem:s31], [sflag:$0x6], $0x40, $0x38;
	[tilespmem:$0x16400] =	vst v63  }
0x40: {  	s28 =	simm.s32 @!p0 $0x8  }
0x41: {  	_ =	swait.ge @!p0 [sflag:s28], $0x2000  }
0x42: {  	[sflag:s28] =	ssyncset.done @!p0 $0x0  }
0x43: {  	[sflag:s28] =	ssyncadd.s32 @!p0 $0xFFFFE000;
	s28 =	sor.u32 $0x180, s26  }
0x44: {  	[tilespmem:s17], [sflag:$0x4] =	stream.indirect.gather [hbm4b:s3+s9], $0x80, s28, s9, $0xb8;
	[tilespmem:$0x16400] =	vst v63  }
0x45: {  	s29 =	sor.u32 s4, s29;
	_ =	swait.ge [sflag:s18], $0x4000  }
0x46: {  	s29 =	sshrl.u32 s29, $0x3;
	[sflag:s18] =	ssyncset.done $0x0  }
0x47: {  	s30 =	simm.s32 $0xE400;
	s29 =	sadd.s32 s5, s29;
	[sflag:s18] =	ssyncadd.s32 $0xFFFFC000  }
0x48: {  	[hbm4b:s29+s2] =	stream.linear.scatter [tilespmem:s30], [sflag:$0x7], $0x40, $0x38;
	[tilespmem:$0x16400] =	vst v63  }
0x49: {  	s30 =	simm.s32 $0x200  }
.LBB2_7:
0x4a: {  	p0 =	sne.s32 s30, $0xFE00  }
.Ltmp4:
0x4b: {  	_ = 	snop;
	(pc) =	sbr.rel @p0 .LBB2_7-.Ltmp4, $4  }
0x4c: {  	_ = 	snop  }
0x4d: {  	s31 =	sshra.s32 s30, $0x2;
	s30 =	sadd.s32 $0x200, s30  }
0x4e: {  	s29 =	sadd.s32 $0xC80, s29;
	s31 =	sadd.s32 $0xE400, s31  }
0x4f: {  	[hbm4b:s29+s2] =	stream.linear.scatter [tilespmem:s31], [sflag:$0x7], $0x40, $0x38;
	[tilespmem:$0x16400] =	vst v63  }
0x50: {  	p0 =	seq.s32 s25, $0x31  }
0x51: {  	s29 =	simm.s32 @!p0 $0x5  }
0x52: {  	_ =	swait.ge @!p0 [sflag:s29], $0x2000  }
0x53: {  	s30 =	sshll.u32 @!p0 s25, $0x9;
	[sflag:s29] =	ssyncset.done @!p0 $0x0  }
0x54: {  	[sflag:s29] =	ssyncadd.s32 @!p0 $0xFFFFE000;
	s29 =	sand.u32 @!p0 $0x3FFFFE00, s30  }
0x55: {  	s31 =	simm.s32 @!p0 $0x6400;
	s30 =	simm.s32 @!p0 $0x80;
	s29 =	sadd.s32 @!p0 $0x200, s29  }
0x56: {  	[tilespmem:s31], [sflag:$0x1] =	stream.indirect.gather @!p0 [hbm4b:s3+s30], $0x80, s29, s30, $0xb8;
	[tilespmem:$0x16400] =	vst v63  }
0x57: {  	s28 =	sor.u32 s4, s28;
	_ =	swait.ge [sflag:s19], $0x4000  }
0x58: {  	s28 =	sshrl.u32 s28, $0x3;
	[sflag:s19] =	ssyncset.done $0x0  }
0x59: {  	s28 =	sadd.s32 s5, s28;
	s29 =	simm.s32 $0x12400;
	[sflag:s19] =	ssyncadd.s32 $0xFFFFC000  }
0x5a: {  	[hbm4b:s28+s2] =	stream.linear.scatter [tilespmem:s29], [sflag:$0x8], $0x40, $0x38;
	[tilespmem:$0x16400] =	vst v63  }
0x5b: {  	s29 =	simm.s32 $0x200  }
.LBB2_9:
0x5c: {  	p1 =	sne.s32 s29, $0xFE00  }
.Ltmp5:
0x5d: {  	_ = 	snop;
	(pc) =	sbr.rel @p1 .LBB2_9-.Ltmp5, $4  }
0x5e: {  	_ = 	snop  }
0x5f: {  	s30 =	sshra.s32 s29, $0x2;
	s29 =	sadd.s32 $0x200, s29  }
0x60: {  	s28 =	sadd.s32 $0xC80, s28;
	s30 =	sadd.s32 $0x12400, s30  }
0x61: {  	[hbm4b:s28+s2] =	stream.linear.scatter [tilespmem:s30], [sflag:$0x8], $0x40, $0x38;
	[tilespmem:$0x16400] =	vst v63  }
.Ltmp6:
0x62: {  	(pc) =	sbr.rel @p0 .LBB2_12-.Ltmp6, $1  }
0x63: {  	_ =	sdelay $0x3  }
.Ltmp7:
0x64: {  	(pc) =	sbr.rel .LBB2_2-.Ltmp7, $4  }
0x65: {  	_ =	swait.ge [sflag:s21], $0x2000  }
0x66: {  	s26 =	sand.u32 $0x3FFFFE00, s26;
	[sflag:s21] =	ssyncset.done $0x0  }
0x67: {  	s25 =	sadd.s32 $0x1, s25;
	s26 =	sadd.s32 $0x280, s26;
	[sflag:s21] =	ssyncadd.s32 $0xFFFFE000  }
0x68: {  	[tilespmem:s13], [sflag:$0x2] =	stream.indirect.gather [hbm4b:s3+s9], $0x80, s26, s9, $0xb8;
	[tilespmem:$0x16400] =	vst v63  }
.LBB2_13:
0x69: {  	_ =	sfence.sel $0x180000  }
0x6a: {  	[bflag:$0x0] =	sbarrier.arrive $0xFFFF  }
0x6b: {  	p0 =	sne.s32 s1, $0x0;
	_ =	strace $0x90000047  }
0x6c: {  	s0 =	sadd.s32 @!p0 $0x100000, s0;
	[bflag:$0x2] =	sbarrier.arrive $0xFFFF  }
0x6d: {  	[sflag:s0] =	ssyncadd.tile.s32 @!p0 $0x1;
	_ =	shalt  }
.Lfunc_end2:
_tile_overlayer_lowered:
.L_overlay_start_2:
0x6e: {  	(tag) =	ssettag $0x2  }
0x6f: {  	s0 =	rddreg [dreg:$0x0];
	s2 =	stileid.u32  }
0x70: {  	s1 =	rddreg [dreg:$0x1];
	p0 =	sne.s32 s2, $0x0  }
0x71: {  	s3 =	rddreg [dreg:$0x2];
	[bflag:$0x3] =	sbarrier.arrive $0xFFFF;
	s2 =	simm.s32 @!p0 $0x1C09  }
0x72: {  	[timem:s3], [sflag:s2] =	dma.local @!p0 [hbm:s0], s1  }
0x73: {  	s0 =	simm.s32 @!p0 $0x9  }
0x74: {  	_ =	swait.ge @!p0 [sflag:s0], s1  }
0x75: {  	s1 =	ssub.s32 @!p0 $0x0, s1;
	[sflag:s0] =	ssyncset.done @!p0 $0x0  }
0x76: {  	[sflag:s0] =	ssyncadd.s32 @!p0 s1  }
0x77: {  	[bflag:$0x3] =	sbarrier.arrive $0xFFFF  }
0x78: {  	_ =	shalt  }

// kernel: sparse-core-data-format-call.cloned.1.call-start
scs
called_computation_lowered:
.L_overlay_start_0:
0x0: {  	s2 =	sld [smem:$0x3FD9]  }
0x1: {  	s3 =	sld [smem:$0x3FFE];
	_ =	sdelay $0x1  }
0x2: {  	s1 =	srdreg.scid  }
0x3: {  	s0 =	sand.u32 $0x1, s1  }
0x4: {  	s18 =	sshll.u32 s0, $0xA;
	s2 =	sadd.s32 s3, s2  }
0x5: {  	s2 =	sadd.s32 s2, s18  }
0x6: {  	[smem:$0x3FC6] =	sst s2  }
0x7: {  	_ = 	snop  }
0x8: {  	s2 =	sld [smem:$0x3FD0];
	(tm) =	ssettm $0x1  }
0x9: {  	s19 =	sld [smem:$0x3FFB];
	_ =	sdelay $0x3  }
0xa: {  	_ =	strace s19  }
0xb: {  	s3 =	sld [smem:$0x3FFC];
	_ =	sdelay $0x3  }
0xc: {  	_ =	strace s3  }
0xd: {  	s3 =	sld [smem:$0x3FFD];
	_ =	sdelay $0x3  }
0xe: {  	_ =	strace s3  }
0xf: {  	_ =	strace $0x8FFFFFFF  }
0x10: {  	s20 =	sld [smem:$0x3FDB];
	_ =	sdelay $0x1  }
0x11: {  	s4 =	simm.s32 $_scs_section_size  }
0x12: {  	s5 =	simm.s32 $_size__tile_overlayer_lowered;
	s6 =	simm.s32 $_tile_overlayer_lowered  }
0x13: {  	s23 =	simm.s32 $0x1BFF;
	s22 =	sshll.u32 s6, $0x1;
	s3 =	sadd.s32 s4, s20  }
0x14: {  	s7 =	simm.s32 $0x0;
	s21 =	sshll.u32 s5, $0x1;
	s5 =	sadd.s32 s22, s3  }
0x15: {  	[timem:s7], [sflag:s23] =	dma.local [hbm:s5], s21  }
0x16: {  	_ =	swait.ge [sflag:s23], s21  }
0x17: {  	s4 =	ssub.s32 $0x0, s21;
	[sflag:s23] =	ssyncset.done $0x0  }
0x18: {  	[sflag:s23] =	ssyncadd.s32 s4;
	_ =	sdelay $0x1  }
0x19: {  	s24 =	simm.s32 $0x1B8B  }
0x1a: {  	_ =	swait.ge [sflag:s24], $0x1  }
0x1b: {  	[sflag:s24] =	ssyncset.done $0x0  }
0x1c: {  	s26 =	simm.s32 $0x1B8E;
	s25 =	sld [smem:$0x3FFE];
	[sflag:s24] =	ssyncadd.s32 $0xFFFFFFFF  }
0x1d: {  	s27 =	simm.s32 $execute0_lowered;
	[smem:$0x3FD2] =	sst s26  }
0x1e: {  	s5 =	sshll.u32 s27, $0x1;
	_ =	strace $0x80000049;
	[dreg:$0x1] =	wrdreg $0xFFFFFFFF  }
0x1f: {  	s28 =	simm.s32 $_size_execute0_lowered;
	s3 =	sadd.s32 s3, s5;
	[dreg:$0x0] =	wrdreg $0x0  }
0x20: {  	s5 =	sshll.u32 s28, $0x1;
	[dreg:$0x2] =	wrdreg s3  }
0x21: {  	[dreg:$0x3] =	wrdreg s5  }
0x22: {  	[dreg:$0x4] =	wrdreg $0xC0  }
0x23: {  	_ =	task [dreg:s7], $0x5FFFF  }
0x24: {  	[dreg:$0x1] =	wrdreg $0xFFFFFFFF  }
0x25: {  	[dreg:$0x0] =	wrdreg $0x60  }
0x26: {  	[dreg:$0x2] =	wrdreg s25  }
0x27: {  	[dreg:$0x3] =	wrdreg s2  }
0x28: {  	[dreg:$0x4] =	wrdreg $0x9  }
0x29: {  	_ =	task.clear_ibuf [dreg:s7], $0x5FFFF;
	_ =	strace $0x90000049  }
0x2a: {  	s29 =	simm.s32 $0x9;
	_ =	strace $0x8000004B  }
0x2b: {  	_ =	swait.ge [sflag:s29], $0x1  }
0x2c: {  	[sflag:s29] =	ssyncadd.s32 $0xFFFFFFFF  }
0x2d: {  	_ =	strace $0x9000004B  }
0x2e: {  	_ =	sfence  }
0x2f: {  	s30 =	sld [smem:$0x0];
	_ =	sdelay $0x2  }
0x30: {  	s31 =	sshll.u32 s1, $0xD;
	s1 =	sshrl.u32 s1, $0x2  }
0x31: {  	s3 =	sand.u32 $0x4000, s31;
	s1 =	sadd.s32 s1, s30  }
0x32: {  	s0 =	sor.u32 s3, s0;
	s1 =	sshll.u32 s1, $0x11  }
0x33: {  	s0 =	sor.u32 s1, s0  }
0x34: {  	s0 =	sadd.s32 $0x8F2B, s0  }
0x35: {  	[sflag:s0] =	ssyncadd.remote.s32 $0x1  }
0x36: {  	_ =	sfence.sel $0xFFFF  }
0x37: {  	[dreg:$0x0] =	wrdreg $0xFFFFFFFF;
	(pc) =	sbr.abs _section_cstart, $3  }
0x38: {  	[dreg:$0x1] =	wrdreg $0xFFFFFFFF  }
0x39: {  	_ =	task.clear_ibuf [dreg:s7], $0x2FFFF;
	_ =	strace $0x9FFFFFFF  }
0x3a: {  	(tm) =	ssettm $0x7FFFFFFF  }
0x3b: {  	_ =	shalt  }
tec
execute0_lowered:
.L_overlay_start_1:
0x0: {  	(tag) =	ssettag $0x1  }
0x1: {  	s0 =	srdreg.scid  }
0x2: {  	s1 =	sshll.u32 s0, $0x4  }
0x3: {  	s0 =	stileid.u32;
	s1 =	sand.u32 $0x10, s1  }
0x4: {  	s1 =	sor.u32 s0, s1  }
0x5: {  	s6 =	rddreg [dreg:$0x0];
	s4 =	simm.s32 $0x1;
	s2 =	sshll.u32 s1, $0x7  }
0x6: {  	s7 =	simm.s32 $0x2;
	s12 =	simm.s32 $0x0;
	s1 =	ssub.s32 $0x1000, s2  }
0x7: {  	s8 =	simm.s32 $0x8000;
	s13 =	simm.s32 $0x0;
	s3 =	sand.u32 $0xF80, s1  }
0x8: {  	s9 =	simm.s32 $0x0;
	s5 =	sshrl.u32 s1, $0xC;
	p0 =	sne.s32 s3, $0x0  }
.Ltmp0:
0x9: {  	s1 =	rddreg [dreg:$0x2];
	s4 =	simm.s32 @!p0 $0x0;
	(pc) =	sbr.rel .LBB1_1-.Ltmp0, $4  }
0xa: {  	s11 =	simm.s32 $0x0;
	s3 =	rddreg [dreg:$0x1];
	s5 =	sadd.s32 s4, s5  }
0xb: {  	_ =	strace $0x8000004A;
	s4 =	simm.s32 $0x1;
	s5 =	smul.u32 $0xC8, s5  }
0xc: {  	s6 =	sadd.s32 $0xA00, s6;
	s10 =	smov.u32 s2;
	[sflag:s4] =	ssyncpa.u1 $0x0  }
0xd: {  	p0 =	por $0x0, $0x0;
	[sflag:s7] =	ssyncpa.u1 $0x0;
	s7 =	sor.u32 $0x1, s5  }
.LBB1_4:
0xe: {  	s16 =	sshll.u32 s13, $0x3;
	s17 =	sand.u32 $0x78, s13  }
0xf: {  	s30 =	sand.u32 $0x7E00, s13;
	s12 =	sshll.u32 s12, $0xF;
	s16 =	sand.u32 $0xC00, s16  }
0x10: {  	[tilespmem:s15+$0x810 ss:$0x81] =	vst.msk $0xffff, v2;
	s31 =	sand.u32 $0x7, s13;
	s16 =	sor.u32 s17, s16;
	s17 =	sadd.s32 s3, s30  }
0x11: {  	[tilespmem:s15+$0x1020 ss:$0x81] =	vst.msk $0xffff, v0;
	s13 =	sshll.u32 s31, $0x12;
	s12 =	sadd.s32 s12, s17;
	s16 =	sshrl.u32 s16, $0x3  }
0x12: {  	[tilespmem:s15+$0x0 ss:$0x81] =	vst.msk $0xffff, v1;
	s13 =	sor.u32 $0x400, s13;
	s12 =	sadd.s32 s16, s12  }
0x13: {  	[hbm4b:s12+s13] =	stream.strided.scatter [tilespmem:s14], [sflag:$0x2], $0x2000, s8, s13, $0x20;
	[tilespmem:$0x8080] =	vst v63  }
.LBB1_5:
0x14: {  	s14 =	sadd.s32 $0x1, s9  }
0x15: {  	s12 =	sadd.s32 $0x1000, s10;
	s16 =	smov.u32 s10;
	p2 =	sgt.s32 s14, $0xC7  }
0x16: {  	s16 =	smov.u32 @p2 s12  }
0x17: {  	s14 =	simm.s32 @p2 $0x0;
	p2 =	sgt.s32 s16, $0xFFF  }
0x18: {  	s16 =	smov.u32 @p2 s2;
	p2 =	sne.s32 s11, s7  }
.Ltmp1:
0x19: {  	p1 =	slt.u32 s11, $0x2;
	(pc) =	sbr.rel @!p2 .LBB1_6-.Ltmp1, $4  }
0x1a: {  	s15 =	simm.s32 @!p1 $0x2  }
0x1b: {  	s13 =	smov.u32 s10;
	p0 =	por !p0, !p0;
	_ =	swait.ge @!p1 [sflag:s15], $0x2000  }
0x1c: {  	s12 =	smov.u32 s9;
	[sflag:s15] =	ssyncset.done @!p1 $0x0;
	s9 =	smov.u32 s14  }
0x1d: {  	s11 =	sadd.s32 $0x1, s11;
	[sflag:s15] =	ssyncadd.s32 @!p1 $0xFFFFE000;
	s10 =	smov.u32 s16  }
.LBB1_1:
0x1e: {  	p1 =	sge.u32 s11, s5  }
0x1f: {  	s14 =	sand.u32 @!p1 $0x1FFFFFF, s9  }
0x20: {  	s15 =	smulhi.u32 @!p1 $0x147AE15, s14;
	_ =	sdelay $0x1  }
0x21: {  	s15 =	smul.u32 @!p1 $0xC8, s15  }
0x22: {  	s16 =	sxor.u32 @!p1 $0xFFFFFFFF, s11;
	s17 =	smul.u32 @!p1 $0xC80, s10  }
0x23: {  	s31 =	sadd.s32 $0xFFFFFFFF, s11;
	s16 =	sshll.u32 @!p1 s16, $0xD;
	s14 =	ssub.s32 @!p1 s14, s15  }
0x24: {  	s15 =	sand.u32 @!p1 $0x2000, s16;
	s16 =	sadd.s32 @!p1 s6, s17;
	s14 =	sshll.u32 @!p1 s14, $0x4  }
0x25: {  	s17 =	simm.s32 @!p1 $0x6400;
	s14 =	sadd.s32 @!p1 s14, s16;
	s16 =	simm.s32 @!p1 $0x40  }
0x26: {  	[tilespmem:s15], [sflag:$0x1] =	stream.strided.gather @!p1 [hbm4b:s14+s16], $0x2000, s17, s16, $0x38;
	[tilespmem:$0x8080] =	vst v63  }
0x27: {  	p1 =	sge.u32 s31, s5  }
.Ltmp2:
0x28: {  	_ = 	snop;
	(pc) =	sbr.rel @p1 .LBB1_5-.Ltmp2, $1  }
0x29: {  	_ =	sdelay $0x3  }
0x2a: {  	s14 =	simm.s32 $0x1  }
0x2b: {  	_ =	swait.ge [sflag:s4], $0x2000;
	s14 =	simm.s32 @!p0 $0x0  }
0x2c: {  	[sflag:s4] =	ssyncset.done $0x0;
	s15 =	sshll.u32 s14, $0xD  }
0x2d: {  	[sflag:s4] =	ssyncadd.s32 $0xFFFFE000;
	s18 =	sor.u32 $0x20, s15  }
0x2e: {  	s14 =	smul.u32 $0x8100, s14;
	v3 =	vld [tilespmem:s18+$0x10]  }
0x2f: {  	s30 =	sand.u32 $0x1, s11;
	v2 =	vld [tilespmem:s18+$0xFFFFFFF0]  }
0x30: {  	s15 =	smul.u32 $0x8100, s30;
	s14 =	sshrl.u32 s14, $0x2;
	v0 =	vld [tilespmem:s18+$0x0]  }
0x31: {  	v1 =	vld [tilespmem:s18+$0xFFFFFFE0];
	s16 =	sor.u32 $0x4000, s14  }
0x32: {  	s31 =	sshrl.u32 s15, $0x2;
	s15 =	sadd.s32 $0x0, s16  }
0x33: {  	s17 =	simm.s32 $0x4;
	s18 =	sadd.s32 $0x40, s18;
	s14 =	sor.u32 $0x4000, s31;
	[tilespmem:s15+$0x1830 ss:$0x81] =	vst.msk $0xffff, v3  }
.LBB1_3:
0x34: {  	v3 =	vld [tilespmem:s18+$0x10];
	p1 =	sne.s32 s17, $0x1FC;
	[tilespmem:s15+$0x810 ss:$0x81] =	vst.msk $0xffff, v2;
	s19 =	smov.u32 s17;
	s17 =	sadd.s32 $0x4, s17  }
.Ltmp3:
0x35: {  	v2 =	vld [tilespmem:s18+$0xFFFFFFF0];
	[tilespmem:s15+$0x1020 ss:$0x81] =	vst.msk $0xffff, v0;
	(pc) =	sbr.rel @p1 .LBB1_3-.Ltmp3, $4  }
0x36: {  	v0 =	vld [tilespmem:s18+$0x0];
	[tilespmem:s15+$0x0 ss:$0x81] =	vst.msk $0xffff, v1  }
0x37: {  	s15 =	sshra.s32 s19, $0x2;
	v1 =	vld [tilespmem:s18+$0xFFFFFFE0]  }
0x38: {  	s15 =	sadd.s32 s15, s16  }
0x39: {  	s18 =	sadd.s32 $0x40, s18;
	[tilespmem:s15+$0x1830 ss:$0x81] =	vst.msk $0xffff, v3  }
.Ltmp4:
0x3a: {  	_ = 	snop;
	(pc) =	sbr.rel .LBB1_4-.Ltmp4, $1  }
0x3b: {  	_ =	sdelay $0x3  }
.LBB1_6:
0x3c: {  	_ =	sfence.sel $0x180000  }
0x3d: {  	s2 =	simm.s32 $0x1;
	[bflag:$0x0] =	sbarrier.arrive $0xFFFF  }
0x3e: {  	s31 =	simm.s32 $0x2;
	[sflag:s2] =	ssyncpa.u1 $0x1  }
0x3f: {  	[sflag:s31] =	ssyncpa.u1 $0x1  }
0x40: {  	p0 =	sne.s32 s0, $0x0;
	_ =	strace $0x9000004A  }
0x41: {  	s0 =	sadd.s32 @!p0 $0x100000, s1;
	[bflag:$0x2] =	sbarrier.arrive $0xFFFF  }
0x42: {  	[sflag:s0] =	ssyncadd.tile.s32 @!p0 $0x1;
	_ =	shalt  }
.Lfunc_end1:
_tile_overlayer_lowered:
.L_overlay_start_2:
0x43: {  	(tag) =	ssettag $0x2  }
0x44: {  	s0 =	rddreg [dreg:$0x0];
	s2 =	stileid.u32  }
0x45: {  	s1 =	rddreg [dreg:$0x1];
	p0 =	sne.s32 s2, $0x0  }
0x46: {  	s3 =	rddreg [dreg:$0x2];
	[bflag:$0x3] =	sbarrier.arrive $0xFFFF;
	s2 =	simm.s32 @!p0 $0x1C01  }
0x47: {  	[timem:s3], [sflag:s2] =	dma.local @!p0 [hbm:s0], s1  }
0x48: {  	s0 =	simm.s32 @!p0 $0x1  }
0x49: {  	_ =	swait.ge @!p0 [sflag:s0], s1  }
0x4a: {  	s1 =	ssub.s32 @!p0 $0x0, s1;
	[sflag:s0] =	ssyncset.done @!p0 $0x0  }
0x4b: {  	[sflag:s0] =	ssyncadd.s32 @!p0 s1  }
0x4c: {  	[bflag:$0x3] =	sbarrier.arrive $0xFFFF  }
0x4d: {  	_ =	shalt  }

</sc_bundles>
